<compile_context>
chip_gen: v7x
topology: tpu7x:2x2x1
jax: 0.10.2.dev20260603
libtpu: 0.0.44.dev20260713+nightly
codegen_flags: <defaults>
</compile_context>

<pallas_src>
import jax
import jax.numpy as jnp
from jax import lax
from jax.experimental import pallas as pl
from jax.experimental.pallas import tpu as pltpu
from jax.experimental.pallas import tpu_sc as plsc

_TOK = 32768
_D = 128
_T = 8192

_NC = 2
_NS = 16
_NW = _NC * _NS
_BPW = _TOK // _NW
_CH = 128
_NCH = _BPW // _CH
_NTYPES = 100


def _sc_body(z2_hbm, table_hbm, out_hbm, idx_v, rows_a, rows_b, tab_sh,
             bounce, gsem, ssem_a, ssem_b):
    cid = lax.axis_index("c")
    sid = lax.axis_index("s")
    wid = sid * _NC + cid
    base = wid * _BPW
    brow = wid * _NCH

    @pl.when(sid == 0)
    def _():
        pltpu.sync_copy(table_hbm, bounce)
        pltpu.sync_copy(bounce, tab_sh)
    plsc.subcore_barrier()

    pltpu.sync_copy(z2_hbm.at[pl.ds(brow, _NCH)], idx_v)

    bufs = (rows_a, rows_b)
    ssems = (ssem_a, ssem_b)
    stores = [None, None]
    gath = pltpu.async_copy(tab_sh.at[idx_v.at[0]], bufs[0], gsem)
    for i in range(_NCH):
        b = i % 2
        gath.wait()
        st = pltpu.async_copy(
            bufs[b], out_hbm.at[pl.ds(base + i * _CH, _CH)], ssems[b])
        stores[b] = st
        if i + 1 < _NCH:
            nb = (i + 1) % 2
            if stores[nb] is not None:
                stores[nb].wait()
            gath = pltpu.async_copy(
                tab_sh.at[idx_v.at[i + 1]], bufs[nb], gsem)
    stores[(_NCH - 2) % 2].wait()
    stores[(_NCH - 1) % 2].wait()


def _sc_gather(z, table):
    mesh = plsc.VectorSubcoreMesh(core_axis_name="c", subcore_axis_name="s")
    return pl.kernel(
        _sc_body,
        mesh=mesh,
        out_type=jax.ShapeDtypeStruct((_TOK, _D), jnp.float32),
        scratch_types=[
            pltpu.VMEM((_NCH, _CH), jnp.int32),
            pltpu.VMEM((_CH, _D), jnp.float32),
            pltpu.VMEM((_CH, _D), jnp.float32),
            pltpu.VMEM_SHARED((_NTYPES, _D), jnp.float32),
            pltpu.VMEM((_NTYPES, _D), jnp.float32),
            pltpu.SemaphoreType.DMA,
            pltpu.SemaphoreType.DMA,
            pltpu.SemaphoreType.DMA,
        ],
    )(z.reshape(_TOK // _CH, _CH), table)


def _tc_body(emb_ref, x_ref, W1_ref, b1_ref, W2_ref, b2_ref,
             g_ref, bt_ref, out_ref):
    x = x_ref[...]
    p = jnp.dot(x, W1_ref[...], preferred_element_type=jnp.float32)
    p = p + b1_ref[...]
    p = p * jax.nn.sigmoid(p)
    h = jnp.dot(p, W2_ref[...], preferred_element_type=jnp.float32)
    h = h + b2_ref[...] + emb_ref[...]

    j = jnp.full((_D, _D), 1.0 / _D, jnp.float32)
    mean = jnp.dot(h, j, preferred_element_type=jnp.float32)
    c = h - mean
    var = jnp.dot(c * c, j, preferred_element_type=jnp.float32)
    out_ref[...] = c * jax.lax.rsqrt(var + 1e-5) * g_ref[...] + bt_ref[...]


def _tc_fused(emb, x, W1, b1, W2, b2, gamma, beta):
    grid = (_TOK // _T,)
    return pl.pallas_call(
        _tc_body,
        grid=grid,
        in_specs=[
            pl.BlockSpec((_T, _D), lambda i: (i, 0)),
            pl.BlockSpec((_T, 3), lambda i: (i, 0)),
            pl.BlockSpec((3, _D), lambda i: (0, 0)),
            pl.BlockSpec((1, _D), lambda i: (0, 0)),
            pl.BlockSpec((_D, _D), lambda i: (0, 0)),
            pl.BlockSpec((1, _D), lambda i: (0, 0)),
            pl.BlockSpec((1, _D), lambda i: (0, 0)),
            pl.BlockSpec((1, _D), lambda i: (0, 0)),
        ],
        out_specs=pl.BlockSpec((_T, _D), lambda i: (i, 0)),
        out_shape=jax.ShapeDtypeStruct((_TOK, _D), jnp.float32),
        compiler_params=pltpu.CompilerParams(
            dimension_semantics=("arbitrary",),
        ),
    )(emb, x, W1, b1, W2, b2, gamma, beta)


@jax.jit
def _run(z, x, table, W1, b1, W2, b2, gamma, beta):
    emb = _sc_gather(z, table)
    return _tc_fused(emb, x, W1, b1, W2, b2, gamma, beta)


def kernel(z, x, cu_seqlens, table, W1, b1, W2, b2, gamma, beta):
    del cu_seqlens
    return _run(z.astype(jnp.int32), x, table, W1,
                b1.reshape(1, _D), W2, b2.reshape(1, _D),
                gamma.reshape(1, _D), beta.reshape(1, _D))

# --- scband reference (transcript-rebuilt; emitter-appended) ---
"""Pipeline reference for scband-atom-embedding-84361747628495 (READ-ONLY COPY).

The authoritative reference and input builder live on the scoring server;
editing this copy changes nothing except your own understanding.
"""

import jax, jax.numpy as jnp
import numpy as np

NUM_TYPES = 100
D_MODEL = 128
TOTAL_TOK = 32768
B = 16

def setup_inputs(seed: int = 0) -> dict:
    key = jax.random.key(seed)
    ks = jax.random.split(key, 10)
    z = jax.random.randint(ks[0], (TOTAL_TOK,), 0, NUM_TYPES)
    x = jax.random.normal(ks[1], (TOTAL_TOK, 3), dtype=jnp.float32)
    inner = jnp.sort(jax.random.randint(ks[2], (B - 1,), 0, TOTAL_TOK)).astype(jnp.int32)
    cu_seqlens = jnp.concatenate([jnp.zeros((1,), jnp.int32), inner, jnp.full((1,), TOTAL_TOK, jnp.int32)])
    table = jax.random.normal(ks[3], (NUM_TYPES, D_MODEL), dtype=jnp.float32) * 0.02
    W1 = jax.random.normal(ks[4], (3, D_MODEL), dtype=jnp.float32) * (1.0 / np.sqrt(3.0))
    b1 = jnp.zeros((D_MODEL,), jnp.float32)
    W2 = jax.random.normal(ks[5], (D_MODEL, D_MODEL), dtype=jnp.float32) * (1.0 / np.sqrt(D_MODEL))
    b2 = jnp.zeros((D_MODEL,), jnp.float32)
    gamma = jnp.ones((D_MODEL,), jnp.float32)
    beta = jnp.zeros((D_MODEL,), jnp.float32)
    return {"z": z, "x": x, "cu_seqlens": cu_seqlens, "table": table, "W1": W1, "b1": b1, "W2": W2, "b2": b2, "gamma": gamma, "beta": beta}

def reference(z, x, cu_seqlens, table, W1, b1, W2, b2, gamma, beta):
    # Embedding lookup over flat (ragged-packed) atomic numbers
    h = jnp.take(table, z, axis=0)
    # pos_encode: Linear(3,d) -> SiLU -> Linear(d,d)
    p = x @ W1 + b1
    p = p * jax.nn.sigmoid(p)
    p = p @ W2 + b2
    h = h + p
    # LayerNorm over last dim (eps matches torch default 1e-5)
    mean = jnp.mean(h, axis=-1, keepdims=True)
    var = jnp.mean((h - mean) ** 2, axis=-1, keepdims=True)
    h = (h - mean) / jnp.sqrt(var + 1e-5) * gamma + beta
    # cu_seqlens carries the ragged structure [B+1]; per-token ops need no segment mixing
    return h

if __name__ == "__main__":
    import jax
    _d = setup_inputs()
    print(jax.jit(kernel)(*tuple(_d.values())))

</pallas_src>

<mosaic_0001>
#map = affine_map<(d0, d1) -> (0, 0)>
module attributes {stable_mosaic.version = 14 : i64} {
  func.func @_sc_body(%arg0: i32, %arg1: i32, %arg2: memref<256x128xi32, #tpu.memory_space<hbm>>, %arg3: memref<100x128xf32, #tpu.memory_space<hbm>>, %arg4: memref<32768x128xf32, #tpu.memory_space<hbm>>, %arg5: memref<8x128xi32, #tpu.memory_space<vmem>>, %arg6: memref<128x128xf32, #tpu.memory_space<vmem>>, %arg7: memref<128x128xf32, #tpu.memory_space<vmem>>, %arg8: memref<100x128xf32, #tpu.memory_space<vmem_shared>>, %arg9: memref<100x128xf32, #tpu.memory_space<vmem>>, %arg10: memref<!tpu.dma_semaphore, #tpu.memory_space<semaphore_mem>>, %arg11: memref<!tpu.dma_semaphore, #tpu.memory_space<semaphore_mem>>, %arg12: memref<!tpu.dma_semaphore, #tpu.memory_space<semaphore_mem>>) attributes {dimension_semantics = [#tpu.dimension_semantics<core_parallel>, #tpu.dimension_semantics<subcore_parallel>], iteration_bounds = array<i64: 2, 16>, scalar_prefetch = 0 : i64, scratch_operands = 8 : i64, tpu.core_type = #tpu.core_type<sc_vector_subcore>, window_params = [{transform_indices = #map}, {transform_indices = #map}, {transform_indices = #map}]} {
    %mul3A = arith.constant 2 : i32
    %mul3A_0 = arith.muli %arg1, %mul3A : i32
    %add3A = arith.addi %mul3A_0, %arg0 : i32
    %mul3A_1 = arith.constant 1024 : i32
    %mul3A_2 = arith.muli %add3A, %mul3A_1 : i32
    %mul3A_3 = arith.constant 8 : i32
    %mul3A_4 = arith.muli %add3A, %mul3A_3 : i32
    %eq3A = arith.constant 0 : i32
    %eq3A_5 = arith.cmpi eq, %arg1, %eq3A : i32
    %convert_element_type3A = arith.extui %eq3A_5 : i1 to i32
    %cond3A = arith.constant 0 : i32
    %cond3A_6 = arith.cmpi ne, %convert_element_type3A, %cond3A : i32
    scf.if %cond3A_6 {
      "tpu.region"() ({
        %run_scoped3A = tpu.sem_alloc : memref<!tpu.dma_semaphore, #tpu.memory_space<semaphore_mem>>
        tpu.enqueue_dma source(%arg3 : memref<100x128xf32, #tpu.memory_space<hbm>>) target(%arg9 : memref<100x128xf32, #tpu.memory_space<vmem>>) target_semaphore(%run_scoped3A : memref<!tpu.dma_semaphore, #tpu.memory_space<semaphore_mem>>)
        tpu.wait_dma2 semaphore(%run_scoped3A : memref<!tpu.dma_semaphore, #tpu.memory_space<semaphore_mem>>) src(%arg3 : memref<100x128xf32, #tpu.memory_space<hbm>>) dst(%arg9 : memref<100x128xf32, #tpu.memory_space<vmem>>)
        tpu.yield
      }) : () -> ()
      "tpu.region"() ({
        %run_scoped3A = tpu.sem_alloc : memref<!tpu.dma_semaphore, #tpu.memory_space<semaphore_mem>>
        tpu.enqueue_dma source(%arg9 : memref<100x128xf32, #tpu.memory_space<vmem>>) target(%arg8 : memref<100x128xf32, #tpu.memory_space<vmem_shared>>) target_semaphore(%run_scoped3A : memref<!tpu.dma_semaphore, #tpu.memory_space<semaphore_mem>>)
        tpu.wait_dma2 semaphore(%run_scoped3A : memref<!tpu.dma_semaphore, #tpu.memory_space<semaphore_mem>>) src(%arg9 : memref<100x128xf32, #tpu.memory_space<vmem>>) dst(%arg8 : memref<100x128xf32, #tpu.memory_space<vmem_shared>>)
        tpu.yield
      }) : () -> ()
    } else {
    }
    %barrier3A = arith.constant 0 : index
    tpu.barrier barrier_id(%barrier3A)
    "tpu.region"() ({
      %run_scoped3A = tpu.sem_alloc : memref<!tpu.dma_semaphore, #tpu.memory_space<semaphore_mem>>
      %dma_start3A_197 = arith.constant 0 : i32
      %dma_start3A_198 = tpu.memref_slice %arg2[%mul3A_4, %dma_start3A_197] : memref<256x128xi32, #tpu.memory_space<hbm>> -> memref<8x128xi32, #tpu.memory_space<hbm>>
      %dma_start3A_199 = arith.constant 0 : i32
      %dma_start3A_200 = tpu.memref_slice %arg2[%mul3A_4, %dma_start3A_199] : memref<256x128xi32, #tpu.memory_space<hbm>> -> memref<8x128xi32, #tpu.memory_space<hbm>>
      tpu.enqueue_dma source(%dma_start3A_200 : memref<8x128xi32, #tpu.memory_space<hbm>>) target(%arg5 : memref<8x128xi32, #tpu.memory_space<vmem>>) target_semaphore(%run_scoped3A : memref<!tpu.dma_semaphore, #tpu.memory_space<semaphore_mem>>)
      %dma_wait3A_201 = arith.constant 0 : i32
      %dma_wait3A_202 = tpu.memref_slice %arg2[%mul3A_4, %dma_wait3A_201] : memref<256x128xi32, #tpu.memory_space<hbm>> -> memref<8x128xi32, #tpu.memory_space<hbm>>
      %dma_wait3A_203 = arith.constant 0 : i32
      %dma_wait3A_204 = tpu.memref_slice %arg2[%mul3A_4, %dma_wait3A_203] : memref<256x128xi32, #tpu.memory_space<hbm>> -> memref<8x128xi32, #tpu.memory_space<hbm>>
      tpu.wait_dma2 semaphore(%run_scoped3A : memref<!tpu.dma_semaphore, #tpu.memory_space<semaphore_mem>>) src(%dma_wait3A_204 : memref<8x128xi32, #tpu.memory_space<hbm>>) dst(%arg5 : memref<8x128xi32, #tpu.memory_space<vmem>>)
      tpu.yield
    }) : () -> ()
    %dma_start3A = arith.constant 0 : i32
    %dma_start3A_7 = arith.constant 0 : i32
    %dma_start3A_8 = tpu.memref_slice %arg5[%dma_start3A, %dma_start3A_7] : memref<8x128xi32, #tpu.memory_space<vmem>> -> memref<1x128xi32, #tpu.memory_space<vmem>>
    %dma_start3A_9 = tpu.memref_squeeze %dma_start3A_8 : memref<1x128xi32, #tpu.memory_space<vmem>> -> memref<128xi32, #tpu.memory_space<vmem>>
    %dma_start3A_10 = arith.constant 0 : i32
    %dma_start3A_11 = arith.constant 0 : i32
    %dma_start3A_12 = tpu.memref_slice %arg8[%dma_start3A_10, %dma_start3A_11] : memref<100x128xf32, #tpu.memory_space<vmem_shared>> -> memref<100x128xf32, #tpu.memory_space<vmem_shared>>
    tpu.enqueue_indirect_dma source(%dma_start3A_12 : memref<100x128xf32, #tpu.memory_space<vmem_shared>>) target(%arg6 : memref<128x128xf32, #tpu.memory_space<vmem>>) offsets(%dma_start3A_9 : memref<128xi32, #tpu.memory_space<vmem>>) semaphore(%arg10 : memref<!tpu.dma_semaphore, #tpu.memory_space<semaphore_mem>>)
    %dma_wait3A = arith.constant 0 : i32
    %dma_wait3A_13 = arith.constant 0 : i32
    %dma_wait3A_14 = tpu.memref_slice %arg5[%dma_wait3A, %dma_wait3A_13] : memref<8x128xi32, #tpu.memory_space<vmem>> -> memref<1x128xi32, #tpu.memory_space<vmem>>
    %dma_wait3A_15 = tpu.memref_squeeze %dma_wait3A_14 : memref<1x128xi32, #tpu.memory_space<vmem>> -> memref<128xi32, #tpu.memory_space<vmem>>
    %dma_wait3A_16 = arith.constant 0 : i32
    %dma_wait3A_17 = arith.constant 0 : i32
    %dma_wait3A_18 = tpu.memref_slice %arg8[%dma_wait3A_16, %dma_wait3A_17] : memref<100x128xf32, #tpu.memory_space<vmem_shared>> -> memref<100x128xf32, #tpu.memory_space<vmem_shared>>
    tpu.wait_indirect_dma semaphore(%arg10 : memref<!tpu.dma_semaphore, #tpu.memory_space<semaphore_mem>>) src(%dma_wait3A_18 : memref<100x128xf32, #tpu.memory_space<vmem_shared>>) dst(%arg6 : memref<128x128xf32, #tpu.memory_space<vmem>>)
    %add3A_19 = arith.constant 0 : i32
    %add3A_20 = arith.addi %mul3A_2, %add3A_19 : i32
    %dma_start3A_21 = arith.constant 0 : i32
    %dma_start3A_22 = tpu.memref_slice %arg4[%add3A_20, %dma_start3A_21] : memref<32768x128xf32, #tpu.memory_space<hbm>> -> memref<128x128xf32, #tpu.memory_space<hbm>>
    %dma_start3A_23 = arith.constant 0 : i32
    %dma_start3A_24 = tpu.memref_slice %arg4[%add3A_20, %dma_start3A_23] : memref<32768x128xf32, #tpu.memory_space<hbm>> -> memref<128x128xf32, #tpu.memory_space<hbm>>
    tpu.enqueue_dma source(%arg6 : memref<128x128xf32, #tpu.memory_space<vmem>>) target(%dma_start3A_24 : memref<128x128xf32, #tpu.memory_space<hbm>>) target_semaphore(%arg11 : memref<!tpu.dma_semaphore, #tpu.memory_space<semaphore_mem>>)
    %dma_start3A_25 = arith.constant 1 : i32
    %dma_start3A_26 = arith.constant 0 : i32
    %dma_start3A_27 = tpu.memref_slice %arg5[%dma_start3A_25, %dma_start3A_26] : memref<8x128xi32, #tpu.memory_space<vmem>> -> memref<1x128xi32, #tpu.memory_space<vmem>>
    %dma_start3A_28 = tpu.memref_squeeze %dma_start3A_27 : memref<1x128xi32, #tpu.memory_space<vmem>> -> memref<128xi32, #tpu.memory_space<vmem>>
    %dma_start3A_29 = arith.constant 0 : i32
    %dma_start3A_30 = arith.constant 0 : i32
    %dma_start3A_31 = tpu.memref_slice %arg8[%dma_start3A_29, %dma_start3A_30] : memref<100x128xf32, #tpu.memory_space<vmem_shared>> -> memref<100x128xf32, #tpu.memory_space<vmem_shared>>
    tpu.enqueue_indirect_dma source(%dma_start3A_31 : memref<100x128xf32, #tpu.memory_space<vmem_shared>>) target(%arg7 : memref<128x128xf32, #tpu.memory_space<vmem>>) offsets(%dma_start3A_28 : memref<128xi32, #tpu.memory_space<vmem>>) semaphore(%arg10 : memref<!tpu.dma_semaphore, #tpu.memory_space<semaphore_mem>>)
    %dma_wait3A_32 = arith.constant 1 : i32
    %dma_wait3A_33 = arith.constant 0 : i32
    %dma_wait3A_34 = tpu.memref_slice %arg5[%dma_wait3A_32, %dma_wait3A_33] : memref<8x128xi32, #tpu.memory_space<vmem>> -> memref<1x128xi32, #tpu.memory_space<vmem>>
    %dma_wait3A_35 = tpu.memref_squeeze %dma_wait3A_34 : memref<1x128xi32, #tpu.memory_space<vmem>> -> memref<128xi32, #tpu.memory_space<vmem>>
    %dma_wait3A_36 = arith.constant 0 : i32
    %dma_wait3A_37 = arith.constant 0 : i32
    %dma_wait3A_38 = tpu.memref_slice %arg8[%dma_wait3A_36, %dma_wait3A_37] : memref<100x128xf32, #tpu.memory_space<vmem_shared>> -> memref<100x128xf32, #tpu.memory_space<vmem_shared>>
    tpu.wait_indirect_dma semaphore(%arg10 : memref<!tpu.dma_semaphore, #tpu.memory_space<semaphore_mem>>) src(%dma_wait3A_38 : memref<100x128xf32, #tpu.memory_space<vmem_shared>>) dst(%arg7 : memref<128x128xf32, #tpu.memory_space<vmem>>)
    %add3A_39 = arith.constant 128 : i32
    %add3A_40 = arith.addi %mul3A_2, %add3A_39 : i32
    %dma_start3A_41 = arith.constant 0 : i32
    %dma_start3A_42 = tpu.memref_slice %arg4[%add3A_40, %dma_start3A_41] : memref<32768x128xf32, #tpu.memory_space<hbm>> -> memref<128x128xf32, #tpu.memory_space<hbm>>
    %dma_start3A_43 = arith.constant 0 : i32
    %dma_start3A_44 = tpu.memref_slice %arg4[%add3A_40, %dma_start3A_43] : memref<32768x128xf32, #tpu.memory_space<hbm>> -> memref<128x128xf32, #tpu.memory_space<hbm>>
    tpu.enqueue_dma source(%arg7 : memref<128x128xf32, #tpu.memory_space<vmem>>) target(%dma_start3A_44 : memref<128x128xf32, #tpu.memory_space<hbm>>) target_semaphore(%arg12 : memref<!tpu.dma_semaphore, #tpu.memory_space<semaphore_mem>>)
    %dma_wait3A_45 = arith.constant 0 : i32
    %dma_wait3A_46 = tpu.memref_slice %arg4[%add3A_20, %dma_wait3A_45] : memref<32768x128xf32, #tpu.memory_space<hbm>> -> memref<128x128xf32, #tpu.memory_space<hbm>>
    %dma_wait3A_47 = arith.constant 0 : i32
    %dma_wait3A_48 = tpu.memref_slice %arg4[%add3A_20, %dma_wait3A_47] : memref<32768x128xf32, #tpu.memory_space<hbm>> -> memref<128x128xf32, #tpu.memory_space<hbm>>
    tpu.wait_dma2 semaphore(%arg11 : memref<!tpu.dma_semaphore, #tpu.memory_space<semaphore_mem>>) src(%arg6 : memref<128x128xf32, #tpu.memory_space<vmem>>) dst(%dma_wait3A_48 : memref<128x128xf32, #tpu.memory_space<hbm>>)
    %dma_start3A_49 = arith.constant 2 : i32
    %dma_start3A_50 = arith.constant 0 : i32
    %dma_start3A_51 = tpu.memref_slice %arg5[%dma_start3A_49, %dma_start3A_50] : memref<8x128xi32, #tpu.memory_space<vmem>> -> memref<1x128xi32, #tpu.memory_space<vmem>>
    %dma_start3A_52 = tpu.memref_squeeze %dma_start3A_51 : memref<1x128xi32, #tpu.memory_space<vmem>> -> memref<128xi32, #tpu.memory_space<vmem>>
    %dma_start3A_53 = arith.constant 0 : i32
    %dma_start3A_54 = arith.constant 0 : i32
    %dma_start3A_55 = tpu.memref_slice %arg8[%dma_start3A_53, %dma_start3A_54] : memref<100x128xf32, #tpu.memory_space<vmem_shared>> -> memref<100x128xf32, #tpu.memory_space<vmem_shared>>
    tpu.enqueue_indirect_dma source(%dma_start3A_55 : memref<100x128xf32, #tpu.memory_space<vmem_shared>>) target(%arg6 : memref<128x128xf32, #tpu.memory_space<vmem>>) offsets(%dma_start3A_52 : memref<128xi32, #tpu.memory_space<vmem>>) semaphore(%arg10 : memref<!tpu.dma_semaphore, #tpu.memory_space<semaphore_mem>>)
    %dma_wait3A_56 = arith.constant 2 : i32
    %dma_wait3A_57 = arith.constant 0 : i32
    %dma_wait3A_58 = tpu.memref_slice %arg5[%dma_wait3A_56, %dma_wait3A_57] : memref<8x128xi32, #tpu.memory_space<vmem>> -> memref<1x128xi32, #tpu.memory_space<vmem>>
    %dma_wait3A_59 = tpu.memref_squeeze %dma_wait3A_58 : memref<1x128xi32, #tpu.memory_space<vmem>> -> memref<128xi32, #tpu.memory_space<vmem>>
    %dma_wait3A_60 = arith.constant 0 : i32
    %dma_wait3A_61 = arith.constant 0 : i32
    %dma_wait3A_62 = tpu.memref_slice %arg8[%dma_wait3A_60, %dma_wait3A_61] : memref<100x128xf32, #tpu.memory_space<vmem_shared>> -> memref<100x128xf32, #tpu.memory_space<vmem_shared>>
    tpu.wait_indirect_dma semaphore(%arg10 : memref<!tpu.dma_semaphore, #tpu.memory_space<semaphore_mem>>) src(%dma_wait3A_62 : memref<100x128xf32, #tpu.memory_space<vmem_shared>>) dst(%arg6 : memref<128x128xf32, #tpu.memory_space<vmem>>)
    %add3A_63 = arith.constant 256 : i32
    %add3A_64 = arith.addi %mul3A_2, %add3A_63 : i32
    %dma_start3A_65 = arith.constant 0 : i32
    %dma_start3A_66 = tpu.memref_slice %arg4[%add3A_64, %dma_start3A_65] : memref<32768x128xf32, #tpu.memory_space<hbm>> -> memref<128x128xf32, #tpu.memory_space<hbm>>
    %dma_start3A_67 = arith.constant 0 : i32
    %dma_start3A_68 = tpu.memref_slice %arg4[%add3A_64, %dma_start3A_67] : memref<32768x128xf32, #tpu.memory_space<hbm>> -> memref<128x128xf32, #tpu.memory_space<hbm>>
    tpu.enqueue_dma source(%arg6 : memref<128x128xf32, #tpu.memory_space<vmem>>) target(%dma_start3A_68 : memref<128x128xf32, #tpu.memory_space<hbm>>) target_semaphore(%arg11 : memref<!tpu.dma_semaphore, #tpu.memory_space<semaphore_mem>>)
    %dma_wait3A_69 = arith.constant 0 : i32
    %dma_wait3A_70 = tpu.memref_slice %arg4[%add3A_40, %dma_wait3A_69] : memref<32768x128xf32, #tpu.memory_space<hbm>> -> memref<128x128xf32, #tpu.memory_space<hbm>>
    %dma_wait3A_71 = arith.constant 0 : i32
    %dma_wait3A_72 = tpu.memref_slice %arg4[%add3A_40, %dma_wait3A_71] : memref<32768x128xf32, #tpu.memory_space<hbm>> -> memref<128x128xf32, #tpu.memory_space<hbm>>
    tpu.wait_dma2 semaphore(%arg12 : memref<!tpu.dma_semaphore, #tpu.memory_space<semaphore_mem>>) src(%arg7 : memref<128x128xf32, #tpu.memory_space<vmem>>) dst(%dma_wait3A_72 : memref<128x128xf32, #tpu.memory_space<hbm>>)
    %dma_start3A_73 = arith.constant 3 : i32
    %dma_start3A_74 = arith.constant 0 : i32
    %dma_start3A_75 = tpu.memref_slice %arg5[%dma_start3A_73, %dma_start3A_74] : memref<8x128xi32, #tpu.memory_space<vmem>> -> memref<1x128xi32, #tpu.memory_space<vmem>>
    %dma_start3A_76 = tpu.memref_squeeze %dma_start3A_75 : memref<1x128xi32, #tpu.memory_space<vmem>> -> memref<128xi32, #tpu.memory_space<vmem>>
    %dma_start3A_77 = arith.constant 0 : i32
    %dma_start3A_78 = arith.constant 0 : i32
    %dma_start3A_79 = tpu.memref_slice %arg8[%dma_start3A_77, %dma_start3A_78] : memref<100x128xf32, #tpu.memory_space<vmem_shared>> -> memref<100x128xf32, #tpu.memory_space<vmem_shared>>
    tpu.enqueue_indirect_dma source(%dma_start3A_79 : memref<100x128xf32, #tpu.memory_space<vmem_shared>>) target(%arg7 : memref<128x128xf32, #tpu.memory_space<vmem>>) offsets(%dma_start3A_76 : memref<128xi32, #tpu.memory_space<vmem>>) semaphore(%arg10 : memref<!tpu.dma_semaphore, #tpu.memory_space<semaphore_mem>>)
    %dma_wait3A_80 = arith.constant 3 : i32
    %dma_wait3A_81 = arith.constant 0 : i32
    %dma_wait3A_82 = tpu.memref_slice %arg5[%dma_wait3A_80, %dma_wait3A_81] : memref<8x128xi32, #tpu.memory_space<vmem>> -> memref<1x128xi32, #tpu.memory_space<vmem>>
    %dma_wait3A_83 = tpu.memref_squeeze %dma_wait3A_82 : memref<1x128xi32, #tpu.memory_space<vmem>> -> memref<128xi32, #tpu.memory_space<vmem>>
    %dma_wait3A_84 = arith.constant 0 : i32
    %dma_wait3A_85 = arith.constant 0 : i32
    %dma_wait3A_86 = tpu.memref_slice %arg8[%dma_wait3A_84, %dma_wait3A_85] : memref<100x128xf32, #tpu.memory_space<vmem_shared>> -> memref<100x128xf32, #tpu.memory_space<vmem_shared>>
    tpu.wait_indirect_dma semaphore(%arg10 : memref<!tpu.dma_semaphore, #tpu.memory_space<semaphore_mem>>) src(%dma_wait3A_86 : memref<100x128xf32, #tpu.memory_space<vmem_shared>>) dst(%arg7 : memref<128x128xf32, #tpu.memory_space<vmem>>)
    %add3A_87 = arith.constant 384 : i32
    %add3A_88 = arith.addi %mul3A_2, %add3A_87 : i32
    %dma_start3A_89 = arith.constant 0 : i32
    %dma_start3A_90 = tpu.memref_slice %arg4[%add3A_88, %dma_start3A_89] : memref<32768x128xf32, #tpu.memory_space<hbm>> -> memref<128x128xf32, #tpu.memory_space<hbm>>
    %dma_start3A_91 = arith.constant 0 : i32
    %dma_start3A_92 = tpu.memref_slice %arg4[%add3A_88, %dma_start3A_91] : memref<32768x128xf32, #tpu.memory_space<hbm>> -> memref<128x128xf32, #tpu.memory_space<hbm>>
    tpu.enqueue_dma source(%arg7 : memref<128x128xf32, #tpu.memory_space<vmem>>) target(%dma_start3A_92 : memref<128x128xf32, #tpu.memory_space<hbm>>) target_semaphore(%arg12 : memref<!tpu.dma_semaphore, #tpu.memory_space<semaphore_mem>>)
    %dma_wait3A_93 = arith.constant 0 : i32
    %dma_wait3A_94 = tpu.memref_slice %arg4[%add3A_64, %dma_wait3A_93] : memref<32768x128xf32, #tpu.memory_space<hbm>> -> memref<128x128xf32, #tpu.memory_space<hbm>>
    %dma_wait3A_95 = arith.constant 0 : i32
    %dma_wait3A_96 = tpu.memref_slice %arg4[%add3A_64, %dma_wait3A_95] : memref<32768x128xf32, #tpu.memory_space<hbm>> -> memref<128x128xf32, #tpu.memory_space<hbm>>
    tpu.wait_dma2 semaphore(%arg11 : memref<!tpu.dma_semaphore, #tpu.memory_space<semaphore_mem>>) src(%arg6 : memref<128x128xf32, #tpu.memory_space<vmem>>) dst(%dma_wait3A_96 : memref<128x128xf32, #tpu.memory_space<hbm>>)
    %dma_start3A_97 = arith.constant 4 : i32
    %dma_start3A_98 = arith.constant 0 : i32
    %dma_start3A_99 = tpu.memref_slice %arg5[%dma_start3A_97, %dma_start3A_98] : memref<8x128xi32, #tpu.memory_space<vmem>> -> memref<1x128xi32, #tpu.memory_space<vmem>>
    %dma_start3A_100 = tpu.memref_squeeze %dma_start3A_99 : memref<1x128xi32, #tpu.memory_space<vmem>> -> memref<128xi32, #tpu.memory_space<vmem>>
    %dma_start3A_101 = arith.constant 0 : i32
    %dma_start3A_102 = arith.constant 0 : i32
    %dma_start3A_103 = tpu.memref_slice %arg8[%dma_start3A_101, %dma_start3A_102] : memref<100x128xf32, #tpu.memory_space<vmem_shared>> -> memref<100x128xf32, #tpu.memory_space<vmem_shared>>
    tpu.enqueue_indirect_dma source(%dma_start3A_103 : memref<100x128xf32, #tpu.memory_space<vmem_shared>>) target(%arg6 : memref<128x128xf32, #tpu.memory_space<vmem>>) offsets(%dma_start3A_100 : memref<128xi32, #tpu.memory_space<vmem>>) semaphore(%arg10 : memref<!tpu.dma_semaphore, #tpu.memory_space<semaphore_mem>>)
    %dma_wait3A_104 = arith.constant 4 : i32
    %dma_wait3A_105 = arith.constant 0 : i32
    %dma_wait3A_106 = tpu.memref_slice %arg5[%dma_wait3A_104, %dma_wait3A_105] : memref<8x128xi32, #tpu.memory_space<vmem>> -> memref<1x128xi32, #tpu.memory_space<vmem>>
    %dma_wait3A_107 = tpu.memref_squeeze %dma_wait3A_106 : memref<1x128xi32, #tpu.memory_space<vmem>> -> memref<128xi32, #tpu.memory_space<vmem>>
    %dma_wait3A_108 = arith.constant 0 : i32
    %dma_wait3A_109 = arith.constant 0 : i32
    %dma_wait3A_110 = tpu.memref_slice %arg8[%dma_wait3A_108, %dma_wait3A_109] : memref<100x128xf32, #tpu.memory_space<vmem_shared>> -> memref<100x128xf32, #tpu.memory_space<vmem_shared>>
    tpu.wait_indirect_dma semaphore(%arg10 : memref<!tpu.dma_semaphore, #tpu.memory_space<semaphore_mem>>) src(%dma_wait3A_110 : memref<100x128xf32, #tpu.memory_space<vmem_shared>>) dst(%arg6 : memref<128x128xf32, #tpu.memory_space<vmem>>)
    %add3A_111 = arith.constant 512 : i32
    %add3A_112 = arith.addi %mul3A_2, %add3A_111 : i32
    %dma_start3A_113 = arith.constant 0 : i32
    %dma_start3A_114 = tpu.memref_slice %arg4[%add3A_112, %dma_start3A_113] : memref<32768x128xf32, #tpu.memory_space<hbm>> -> memref<128x128xf32, #tpu.memory_space<hbm>>
    %dma_start3A_115 = arith.constant 0 : i32
    %dma_start3A_116 = tpu.memref_slice %arg4[%add3A_112, %dma_start3A_115] : memref<32768x128xf32, #tpu.memory_space<hbm>> -> memref<128x128xf32, #tpu.memory_space<hbm>>
    tpu.enqueue_dma source(%arg6 : memref<128x128xf32, #tpu.memory_space<vmem>>) target(%dma_start3A_116 : memref<128x128xf32, #tpu.memory_space<hbm>>) target_semaphore(%arg11 : memref<!tpu.dma_semaphore, #tpu.memory_space<semaphore_mem>>)
    %dma_wait3A_117 = arith.constant 0 : i32
    %dma_wait3A_118 = tpu.memref_slice %arg4[%add3A_88, %dma_wait3A_117] : memref<32768x128xf32, #tpu.memory_space<hbm>> -> memref<128x128xf32, #tpu.memory_space<hbm>>
    %dma_wait3A_119 = arith.constant 0 : i32
    %dma_wait3A_120 = tpu.memref_slice %arg4[%add3A_88, %dma_wait3A_119] : memref<32768x128xf32, #tpu.memory_space<hbm>> -> memref<128x128xf32, #tpu.memory_space<hbm>>
    tpu.wait_dma2 semaphore(%arg12 : memref<!tpu.dma_semaphore, #tpu.memory_space<semaphore_mem>>) src(%arg7 : memref<128x128xf32, #tpu.memory_space<vmem>>) dst(%dma_wait3A_120 : memref<128x128xf32, #tpu.memory_space<hbm>>)
    %dma_start3A_121 = arith.constant 5 : i32
    %dma_start3A_122 = arith.constant 0 : i32
    %dma_start3A_123 = tpu.memref_slice %arg5[%dma_start3A_121, %dma_start3A_122] : memref<8x128xi32, #tpu.memory_space<vmem>> -> memref<1x128xi32, #tpu.memory_space<vmem>>
    %dma_start3A_124 = tpu.memref_squeeze %dma_start3A_123 : memref<1x128xi32, #tpu.memory_space<vmem>> -> memref<128xi32, #tpu.memory_space<vmem>>
    %dma_start3A_125 = arith.constant 0 : i32
    %dma_start3A_126 = arith.constant 0 : i32
    %dma_start3A_127 = tpu.memref_slice %arg8[%dma_start3A_125, %dma_start3A_126] : memref<100x128xf32, #tpu.memory_space<vmem_shared>> -> memref<100x128xf32, #tpu.memory_space<vmem_shared>>
    tpu.enqueue_indirect_dma source(%dma_start3A_127 : memref<100x128xf32, #tpu.memory_space<vmem_shared>>) target(%arg7 : memref<128x128xf32, #tpu.memory_space<vmem>>) offsets(%dma_start3A_124 : memref<128xi32, #tpu.memory_space<vmem>>) semaphore(%arg10 : memref<!tpu.dma_semaphore, #tpu.memory_space<semaphore_mem>>)
    %dma_wait3A_128 = arith.constant 5 : i32
    %dma_wait3A_129 = arith.constant 0 : i32
    %dma_wait3A_130 = tpu.memref_slice %arg5[%dma_wait3A_128, %dma_wait3A_129] : memref<8x128xi32, #tpu.memory_space<vmem>> -> memref<1x128xi32, #tpu.memory_space<vmem>>
    %dma_wait3A_131 = tpu.memref_squeeze %dma_wait3A_130 : memref<1x128xi32, #tpu.memory_space<vmem>> -> memref<128xi32, #tpu.memory_space<vmem>>
    %dma_wait3A_132 = arith.constant 0 : i32
    %dma_wait3A_133 = arith.constant 0 : i32
    %dma_wait3A_134 = tpu.memref_slice %arg8[%dma_wait3A_132, %dma_wait3A_133] : memref<100x128xf32, #tpu.memory_space<vmem_shared>> -> memref<100x128xf32, #tpu.memory_space<vmem_shared>>
    tpu.wait_indirect_dma semaphore(%arg10 : memref<!tpu.dma_semaphore, #tpu.memory_space<semaphore_mem>>) src(%dma_wait3A_134 : memref<100x128xf32, #tpu.memory_space<vmem_shared>>) dst(%arg7 : memref<128x128xf32, #tpu.memory_space<vmem>>)
    %add3A_135 = arith.constant 640 : i32
    %add3A_136 = arith.addi %mul3A_2, %add3A_135 : i32
    %dma_start3A_137 = arith.constant 0 : i32
    %dma_start3A_138 = tpu.memref_slice %arg4[%add3A_136, %dma_start3A_137] : memref<32768x128xf32, #tpu.memory_space<hbm>> -> memref<128x128xf32, #tpu.memory_space<hbm>>
    %dma_start3A_139 = arith.constant 0 : i32
    %dma_start3A_140 = tpu.memref_slice %arg4[%add3A_136, %dma_start3A_139] : memref<32768x128xf32, #tpu.memory_space<hbm>> -> memref<128x128xf32, #tpu.memory_space<hbm>>
    tpu.enqueue_dma source(%arg7 : memref<128x128xf32, #tpu.memory_space<vmem>>) target(%dma_start3A_140 : memref<128x128xf32, #tpu.memory_space<hbm>>) target_semaphore(%arg12 : memref<!tpu.dma_semaphore, #tpu.memory_space<semaphore_mem>>)
    %dma_wait3A_141 = arith.constant 0 : i32
    %dma_wait3A_142 = tpu.memref_slice %arg4[%add3A_112, %dma_wait3A_141] : memref<32768x128xf32, #tpu.memory_space<hbm>> -> memref<128x128xf32, #tpu.memory_space<hbm>>
    %dma_wait3A_143 = arith.constant 0 : i32
    %dma_wait3A_144 = tpu.memref_slice %arg4[%add3A_112, %dma_wait3A_143] : memref<32768x128xf32, #tpu.memory_space<hbm>> -> memref<128x128xf32, #tpu.memory_space<hbm>>
    tpu.wait_dma2 semaphore(%arg11 : memref<!tpu.dma_semaphore, #tpu.memory_space<semaphore_mem>>) src(%arg6 : memref<128x128xf32, #tpu.memory_space<vmem>>) dst(%dma_wait3A_144 : memref<128x128xf32, #tpu.memory_space<hbm>>)
    %dma_start3A_145 = arith.constant 6 : i32
    %dma_start3A_146 = arith.constant 0 : i32
    %dma_start3A_147 = tpu.memref_slice %arg5[%dma_start3A_145, %dma_start3A_146] : memref<8x128xi32, #tpu.memory_space<vmem>> -> memref<1x128xi32, #tpu.memory_space<vmem>>
    %dma_start3A_148 = tpu.memref_squeeze %dma_start3A_147 : memref<1x128xi32, #tpu.memory_space<vmem>> -> memref<128xi32, #tpu.memory_space<vmem>>
    %dma_start3A_149 = arith.constant 0 : i32
    %dma_start3A_150 = arith.constant 0 : i32
    %dma_start3A_151 = tpu.memref_slice %arg8[%dma_start3A_149, %dma_start3A_150] : memref<100x128xf32, #tpu.memory_space<vmem_shared>> -> memref<100x128xf32, #tpu.memory_space<vmem_shared>>
    tpu.enqueue_indirect_dma source(%dma_start3A_151 : memref<100x128xf32, #tpu.memory_space<vmem_shared>>) target(%arg6 : memref<128x128xf32, #tpu.memory_space<vmem>>) offsets(%dma_start3A_148 : memref<128xi32, #tpu.memory_space<vmem>>) semaphore(%arg10 : memref<!tpu.dma_semaphore, #tpu.memory_space<semaphore_mem>>)
    %dma_wait3A_152 = arith.constant 6 : i32
    %dma_wait3A_153 = arith.constant 0 : i32
    %dma_wait3A_154 = tpu.memref_slice %arg5[%dma_wait3A_152, %dma_wait3A_153] : memref<8x128xi32, #tpu.memory_space<vmem>> -> memref<1x128xi32, #tpu.memory_space<vmem>>
    %dma_wait3A_155 = tpu.memref_squeeze %dma_wait3A_154 : memref<1x128xi32, #tpu.memory_space<vmem>> -> memref<128xi32, #tpu.memory_space<vmem>>
    %dma_wait3A_156 = arith.constant 0 : i32
    %dma_wait3A_157 = arith.constant 0 : i32
    %dma_wait3A_158 = tpu.memref_slice %arg8[%dma_wait3A_156, %dma_wait3A_157] : memref<100x128xf32, #tpu.memory_space<vmem_shared>> -> memref<100x128xf32, #tpu.memory_space<vmem_shared>>
    tpu.wait_indirect_dma semaphore(%arg10 : memref<!tpu.dma_semaphore, #tpu.memory_space<semaphore_mem>>) src(%dma_wait3A_158 : memref<100x128xf32, #tpu.memory_space<vmem_shared>>) dst(%arg6 : memref<128x128xf32, #tpu.memory_space<vmem>>)
    %add3A_159 = arith.constant 768 : i32
    %add3A_160 = arith.addi %mul3A_2, %add3A_159 : i32
    %dma_start3A_161 = arith.constant 0 : i32
    %dma_start3A_162 = tpu.memref_slice %arg4[%add3A_160, %dma_start3A_161] : memref<32768x128xf32, #tpu.memory_space<hbm>> -> memref<128x128xf32, #tpu.memory_space<hbm>>
    %dma_start3A_163 = arith.constant 0 : i32
    %dma_start3A_164 = tpu.memref_slice %arg4[%add3A_160, %dma_start3A_163] : memref<32768x128xf32, #tpu.memory_space<hbm>> -> memref<128x128xf32, #tpu.memory_space<hbm>>
    tpu.enqueue_dma source(%arg6 : memref<128x128xf32, #tpu.memory_space<vmem>>) target(%dma_start3A_164 : memref<128x128xf32, #tpu.memory_space<hbm>>) target_semaphore(%arg11 : memref<!tpu.dma_semaphore, #tpu.memory_space<semaphore_mem>>)
    %dma_wait3A_165 = arith.constant 0 : i32
    %dma_wait3A_166 = tpu.memref_slice %arg4[%add3A_136, %dma_wait3A_165] : memref<32768x128xf32, #tpu.memory_space<hbm>> -> memref<128x128xf32, #tpu.memory_space<hbm>>
    %dma_wait3A_167 = arith.constant 0 : i32
    %dma_wait3A_168 = tpu.memref_slice %arg4[%add3A_136, %dma_wait3A_167] : memref<32768x128xf32, #tpu.memory_space<hbm>> -> memref<128x128xf32, #tpu.memory_space<hbm>>
    tpu.wait_dma2 semaphore(%arg12 : memref<!tpu.dma_semaphore, #tpu.memory_space<semaphore_mem>>) src(%arg7 : memref<128x128xf32, #tpu.memory_space<vmem>>) dst(%dma_wait3A_168 : memref<128x128xf32, #tpu.memory_space<hbm>>)
    %dma_start3A_169 = arith.constant 7 : i32
    %dma_start3A_170 = arith.constant 0 : i32
    %dma_start3A_171 = tpu.memref_slice %arg5[%dma_start3A_169, %dma_start3A_170] : memref<8x128xi32, #tpu.memory_space<vmem>> -> memref<1x128xi32, #tpu.memory_space<vmem>>
    %dma_start3A_172 = tpu.memref_squeeze %dma_start3A_171 : memref<1x128xi32, #tpu.memory_space<vmem>> -> memref<128xi32, #tpu.memory_space<vmem>>
    %dma_start3A_173 = arith.constant 0 : i32
    %dma_start3A_174 = arith.constant 0 : i32
    %dma_start3A_175 = tpu.memref_slice %arg8[%dma_start3A_173, %dma_start3A_174] : memref<100x128xf32, #tpu.memory_space<vmem_shared>> -> memref<100x128xf32, #tpu.memory_space<vmem_shared>>
    tpu.enqueue_indirect_dma source(%dma_start3A_175 : memref<100x128xf32, #tpu.memory_space<vmem_shared>>) target(%arg7 : memref<128x128xf32, #tpu.memory_space<vmem>>) offsets(%dma_start3A_172 : memref<128xi32, #tpu.memory_space<vmem>>) semaphore(%arg10 : memref<!tpu.dma_semaphore, #tpu.memory_space<semaphore_mem>>)
    %dma_wait3A_176 = arith.constant 7 : i32
    %dma_wait3A_177 = arith.constant 0 : i32
    %dma_wait3A_178 = tpu.memref_slice %arg5[%dma_wait3A_176, %dma_wait3A_177] : memref<8x128xi32, #tpu.memory_space<vmem>> -> memref<1x128xi32, #tpu.memory_space<vmem>>
    %dma_wait3A_179 = tpu.memref_squeeze %dma_wait3A_178 : memref<1x128xi32, #tpu.memory_space<vmem>> -> memref<128xi32, #tpu.memory_space<vmem>>
    %dma_wait3A_180 = arith.constant 0 : i32
    %dma_wait3A_181 = arith.constant 0 : i32
    %dma_wait3A_182 = tpu.memref_slice %arg8[%dma_wait3A_180, %dma_wait3A_181] : memref<100x128xf32, #tpu.memory_space<vmem_shared>> -> memref<100x128xf32, #tpu.memory_space<vmem_shared>>
    tpu.wait_indirect_dma semaphore(%arg10 : memref<!tpu.dma_semaphore, #tpu.memory_space<semaphore_mem>>) src(%dma_wait3A_182 : memref<100x128xf32, #tpu.memory_space<vmem_shared>>) dst(%arg7 : memref<128x128xf32, #tpu.memory_space<vmem>>)
    %add3A_183 = arith.constant 896 : i32
    %add3A_184 = arith.addi %mul3A_2, %add3A_183 : i32
    %dma_start3A_185 = arith.constant 0 : i32
    %dma_start3A_186 = tpu.memref_slice %arg4[%add3A_184, %dma_start3A_185] : memref<32768x128xf32, #tpu.memory_space<hbm>> -> memref<128x128xf32, #tpu.memory_space<hbm>>
    %dma_start3A_187 = arith.constant 0 : i32
    %dma_start3A_188 = tpu.memref_slice %arg4[%add3A_184, %dma_start3A_187] : memref<32768x128xf32, #tpu.memory_space<hbm>> -> memref<128x128xf32, #tpu.memory_space<hbm>>
    tpu.enqueue_dma source(%arg7 : memref<128x128xf32, #tpu.memory_space<vmem>>) target(%dma_start3A_188 : memref<128x128xf32, #tpu.memory_space<hbm>>) target_semaphore(%arg12 : memref<!tpu.dma_semaphore, #tpu.memory_space<semaphore_mem>>)
    %dma_wait3A_189 = arith.constant 0 : i32
    %dma_wait3A_190 = tpu.memref_slice %arg4[%add3A_160, %dma_wait3A_189] : memref<32768x128xf32, #tpu.memory_space<hbm>> -> memref<128x128xf32, #tpu.memory_space<hbm>>
    %dma_wait3A_191 = arith.constant 0 : i32
    %dma_wait3A_192 = tpu.memref_slice %arg4[%add3A_160, %dma_wait3A_191] : memref<32768x128xf32, #tpu.memory_space<hbm>> -> memref<128x128xf32, #tpu.memory_space<hbm>>
    tpu.wait_dma2 semaphore(%arg11 : memref<!tpu.dma_semaphore, #tpu.memory_space<semaphore_mem>>) src(%arg6 : memref<128x128xf32, #tpu.memory_space<vmem>>) dst(%dma_wait3A_192 : memref<128x128xf32, #tpu.memory_space<hbm>>)
    %dma_wait3A_193 = arith.constant 0 : i32
    %dma_wait3A_194 = tpu.memref_slice %arg4[%add3A_184, %dma_wait3A_193] : memref<32768x128xf32, #tpu.memory_space<hbm>> -> memref<128x128xf32, #tpu.memory_space<hbm>>
    %dma_wait3A_195 = arith.constant 0 : i32
    %dma_wait3A_196 = tpu.memref_slice %arg4[%add3A_184, %dma_wait3A_195] : memref<32768x128xf32, #tpu.memory_space<hbm>> -> memref<128x128xf32, #tpu.memory_space<hbm>>
    tpu.wait_dma2 semaphore(%arg12 : memref<!tpu.dma_semaphore, #tpu.memory_space<semaphore_mem>>) src(%arg7 : memref<128x128xf32, #tpu.memory_space<vmem>>) dst(%dma_wait3A_196 : memref<128x128xf32, #tpu.memory_space<hbm>>)
    return
  }
}

module attributes {stable_mosaic.version = 14 : i64} {
  func.func @_tc_body(%arg0: i32, %arg1: memref<8192x128xf32, #tpu.memory_space<vmem>>, %arg2: memref<8192x3xf32, #tpu.memory_space<vmem>>, %arg3: memref<3x128xf32, #tpu.memory_space<vmem>>, %arg4: memref<1x128xf32, #tpu.memory_space<vmem>>, %arg5: memref<128x128xf32, #tpu.memory_space<vmem>>, %arg6: memref<1x128xf32, #tpu.memory_space<vmem>>, %arg7: memref<1x128xf32, #tpu.memory_space<vmem>>, %arg8: memref<1x128xf32, #tpu.memory_space<vmem>>, %arg9: memref<8192x128xf32, #tpu.memory_space<vmem>>) attributes {dimension_semantics = [#tpu.dimension_semantics<arbitrary>], iteration_bounds = array<i64: 4>, scalar_prefetch = 0 : i64, scratch_operands = 0 : i64, tpu.core_type = #tpu.core_type<tc>, window_params = [{transform_indices = @transform_0, window_bounds = array<i64: 8192, 128>}, {transform_indices = @transform_1, window_bounds = array<i64: 8192, 3>}, {pipeline_mode = #tpu.pipeline_mode<synchronous>, transform_indices = @transform_2, window_bounds = array<i64: 3, 128>}, {pipeline_mode = #tpu.pipeline_mode<synchronous>, transform_indices = @transform_3, window_bounds = array<i64: 1, 128>}, {pipeline_mode = #tpu.pipeline_mode<synchronous>, transform_indices = @transform_4, window_bounds = array<i64: 128, 128>}, {pipeline_mode = #tpu.pipeline_mode<synchronous>, transform_indices = @transform_5, window_bounds = array<i64: 1, 128>}, {pipeline_mode = #tpu.pipeline_mode<synchronous>, transform_indices = @transform_6, window_bounds = array<i64: 1, 128>}, {pipeline_mode = #tpu.pipeline_mode<synchronous>, transform_indices = @transform_7, window_bounds = array<i64: 1, 128>}, {transform_indices = @transform_8, window_bounds = array<i64: 8192, 128>}]} {
    %get3A = arith.constant 0 : index
    %get3A_0 = arith.constant 0 : index
    %get3A_1 = vector.load %arg2[%get3A, %get3A_0] : memref<8192x3xf32, #tpu.memory_space<vmem>>, vector<8192x3xf32>
    %get3A_2 = arith.constant 0 : index
    %get3A_3 = arith.constant 0 : index
    %get3A_4 = vector.load %arg3[%get3A_2, %get3A_3] : memref<3x128xf32, #tpu.memory_space<vmem>>, vector<3x128xf32>
    %dot_general3A = arith.constant dense<0.000000e+00> : vector<8192x128xf32>
    %dot_general3A_5 = tpu.matmul %get3A_1, %get3A_4, %dot_general3A {dimension_numbers = #tpu.dot_dimension_numbers<[1], [0], [0], [1], [0, 0, 1, 1], [], []>, transpose_lhs_hint = false} : vector<8192x3xf32>, vector<3x128xf32>, vector<8192x128xf32> -> vector<8192x128xf32>
    %get3A_6 = arith.constant 0 : index
    %get3A_7 = arith.constant 0 : index
    %get3A_8 = vector.load %arg4[%get3A_6, %get3A_7] : memref<1x128xf32, #tpu.memory_space<vmem>>, vector<1x128xf32>
    %add3A = vector.broadcast %get3A_8 : vector<1x128xf32> to vector<8192x128xf32>
    %add3A_9 = arith.addf %dot_general3A_5, %add3A : vector<8192x128xf32>
    %logistic3A = arith.negf %add3A_9 : vector<8192x128xf32>
    %logistic3A_10 = math.exp %logistic3A : vector<8192x128xf32>
    %logistic3A_11 = arith.constant 1.000000e+00 : f32
    %logistic3A_12 = vector.broadcast %logistic3A_11 : f32 to vector<8192x128xf32>
    %logistic3A_13 = arith.addf %logistic3A_12, %logistic3A_10 : vector<8192x128xf32>
    %logistic3A_14 = arith.divf %logistic3A_12, %logistic3A_13 : vector<8192x128xf32>
    %mul3A = arith.mulf %add3A_9, %logistic3A_14 : vector<8192x128xf32>
    %get3A_15 = arith.constant 0 : index
    %get3A_16 = arith.constant 0 : index
    %get3A_17 = vector.load %arg5[%get3A_15, %get3A_16] : memref<128x128xf32, #tpu.memory_space<vmem>>, vector<128x128xf32>
    %dot_general3A_18 = arith.constant dense<0.000000e+00> : vector<8192x128xf32>
    %dot_general3A_19 = tpu.matmul %mul3A, %get3A_17, %dot_general3A_18 {dimension_numbers = #tpu.dot_dimension_numbers<[1], [0], [0], [1], [0, 0, 1, 1], [], []>, transpose_lhs_hint = false} : vector<8192x128xf32>, vector<128x128xf32>, vector<8192x128xf32> -> vector<8192x128xf32>
    %get3A_20 = arith.constant 0 : index
    %get3A_21 = arith.constant 0 : index
    %get3A_22 = vector.load %arg6[%get3A_20, %get3A_21] : memref<1x128xf32, #tpu.memory_space<vmem>>, vector<1x128xf32>
    %add3A_23 = vector.broadcast %get3A_22 : vector<1x128xf32> to vector<8192x128xf32>
    %add3A_24 = arith.addf %dot_general3A_19, %add3A_23 : vector<8192x128xf32>
    %get3A_25 = arith.constant 0 : index
    %get3A_26 = arith.constant 0 : index
    %get3A_27 = vector.load %arg1[%get3A_25, %get3A_26] : memref<8192x128xf32, #tpu.memory_space<vmem>>, vector<8192x128xf32>
    %add3A_28 = arith.addf %add3A_24, %get3A_27 : vector<8192x128xf32>
    %broadcast_in_dim3A = arith.constant 7.812500e-03 : f32
    %broadcast_in_dim3A_29 = vector.broadcast %broadcast_in_dim3A : f32 to vector<128x128xf32>
    %dot_general3A_30 = arith.constant dense<0.000000e+00> : vector<8192x128xf32>
    %dot_general3A_31 = tpu.matmul %add3A_28, %broadcast_in_dim3A_29, %dot_general3A_30 {dimension_numbers = #tpu.dot_dimension_numbers<[1], [0], [0], [1], [0, 0, 1, 1], [], []>, transpose_lhs_hint = false} : vector<8192x128xf32>, vector<128x128xf32>, vector<8192x128xf32> -> vector<8192x128xf32>
    %sub3A = arith.subf %add3A_28, %dot_general3A_31 : vector<8192x128xf32>
    %mul3A_32 = arith.mulf %sub3A, %sub3A : vector<8192x128xf32>
    %dot_general3A_33 = arith.constant dense<0.000000e+00> : vector<8192x128xf32>
    %dot_general3A_34 = tpu.matmul %mul3A_32, %broadcast_in_dim3A_29, %dot_general3A_33 {dimension_numbers = #tpu.dot_dimension_numbers<[1], [0], [0], [1], [0, 0, 1, 1], [], []>, transpose_lhs_hint = false} : vector<8192x128xf32>, vector<128x128xf32>, vector<8192x128xf32> -> vector<8192x128xf32>
    %add3A_35 = arith.constant 9.99999974E-6 : f32
    %add3A_36 = vector.broadcast %add3A_35 : f32 to vector<8192x128xf32>
    %add3A_37 = arith.addf %dot_general3A_34, %add3A_36 : vector<8192x128xf32>
    %rsqrt3A = math.rsqrt %add3A_37 : vector<8192x128xf32>
    %mul3A_38 = arith.mulf %sub3A, %rsqrt3A : vector<8192x128xf32>
    %get3A_39 = arith.constant 0 : index
    %get3A_40 = arith.constant 0 : index
    %get3A_41 = vector.load %arg7[%get3A_39, %get3A_40] : memref<1x128xf32, #tpu.memory_space<vmem>>, vector<1x128xf32>
    %mul3A_42 = vector.broadcast %get3A_41 : vector<1x128xf32> to vector<8192x128xf32>
    %mul3A_43 = arith.mulf %mul3A_38, %mul3A_42 : vector<8192x128xf32>
    %get3A_44 = arith.constant 0 : index
    %get3A_45 = arith.constant 0 : index
    %get3A_46 = vector.load %arg8[%get3A_44, %get3A_45] : memref<1x128xf32, #tpu.memory_space<vmem>>, vector<1x128xf32>
    %add3A_47 = vector.broadcast %get3A_46 : vector<1x128xf32> to vector<8192x128xf32>
    %add3A_48 = arith.addf %mul3A_43, %add3A_47 : vector<8192x128xf32>
    %swap3A = arith.constant 0 : index
    %swap3A_49 = arith.constant 0 : index
    %swap3A_50 = vector.load %arg9[%swap3A, %swap3A_49] : memref<8192x128xf32, #tpu.memory_space<vmem>>, vector<8192x128xf32>
    tpu.vector_store %arg9[%swap3A, %swap3A_49], %add3A_48 {strides = array<i32>} : memref<8192x128xf32, #tpu.memory_space<vmem>>, vector<8192x128xf32>,
    return
  }
  func.func @transform_0(%arg0: i32) -> (i32, i32) {
    %c0_i32 = arith.constant 0 : i32
    %c0_i32_0 = arith.constant 0 : i32
    return %arg0, %c0_i32 : i32, i32
  }
  func.func @transform_1(%arg0: i32) -> (i32, i32) {
    %c0_i32 = arith.constant 0 : i32
    %c0_i32_0 = arith.constant 0 : i32
    return %arg0, %c0_i32 : i32, i32
  }
  func.func @transform_2(%arg0: i32) -> (i32, i32) {
    %c0_i32 = arith.constant 0 : i32
    %c0_i32_0 = arith.constant 0 : i32
    %c0_i32_1 = arith.constant 0 : i32
    return %c0_i32, %c0_i32_0 : i32, i32
  }
  func.func @transform_3(%arg0: i32) -> (i32, i32) {
    %c0_i32 = arith.constant 0 : i32
    %c0_i32_0 = arith.constant 0 : i32
    %c0_i32_1 = arith.constant 0 : i32
    return %c0_i32, %c0_i32_0 : i32, i32
  }
  func.func @transform_4(%arg0: i32) -> (i32, i32) {
    %c0_i32 = arith.constant 0 : i32
    %c0_i32_0 = arith.constant 0 : i32
    %c0_i32_1 = arith.constant 0 : i32
    return %c0_i32, %c0_i32_0 : i32, i32
  }
  func.func @transform_5(%arg0: i32) -> (i32, i32) {
    %c0_i32 = arith.constant 0 : i32
    %c0_i32_0 = arith.constant 0 : i32
    %c0_i32_1 = arith.constant 0 : i32
    return %c0_i32, %c0_i32_0 : i32, i32
  }
  func.func @transform_6(%arg0: i32) -> (i32, i32) {
    %c0_i32 = arith.constant 0 : i32
    %c0_i32_0 = arith.constant 0 : i32
    %c0_i32_1 = arith.constant 0 : i32
    return %c0_i32, %c0_i32_0 : i32, i32
  }
  func.func @transform_7(%arg0: i32) -> (i32, i32) {
    %c0_i32 = arith.constant 0 : i32
    %c0_i32_0 = arith.constant 0 : i32
    %c0_i32_1 = arith.constant 0 : i32
    return %c0_i32, %c0_i32_0 : i32, i32
  }
  func.func @transform_8(%arg0: i32) -> (i32, i32) {
    %c0_i32 = arith.constant 0 : i32
    %c0_i32_0 = arith.constant 0 : i32
    return %arg0, %c0_i32 : i32, i32
  }
}

</mosaic_0001>

<sc_bundles>
// kernel: _run.4.cloned.1.call-start
scs
__scs_entry_jumppad:
0x0: {  	(pc) =	sbr.rel $0x88, $3  }
0x1: {  	(tag) =	ssettag $0x0;
	lr =	simm.s32 $0x1  }
0x2: {  	[smem:$0x3F98] =	sst lr;
	_ =	strace $0xD0000000  }
0x3: {  	_ = 	snop  }
0x4: {  	_ = 	snop  }
0x5: {  	_ = 	snop  }
0x6: {  	_ = 	snop  }
0x7: {  	_ = 	snop  }
__scs_overlays_trampoline_lowered:
0x8: {  	[smem:$0x3FA7] =	sst s0  }
0x9: {  	[smem:$0x3FA8] =	sst s1  }
0xa: {  	[smem:$0x3FA9] =	sst s2  }
0xb: {  	[smem:$0x3FAA] =	sst s3  }
0xc: {  	[smem:$0x3FAB] =	sst s4  }
0xd: {  	[smem:$0x3FAC] =	sst s5  }
0xe: {  	[smem:$0x3FAD] =	sst s6  }
0xf: {  	[smem:$0x3FAE] =	sst s7  }
0x10: {  	[smem:$0x3FAF] =	sst s8  }
0x11: {  	[smem:$0x3FB0] =	sst s9;
	s0 =	simm.s32 @!p0 $0x0  }
0x12: {  	s1 =	sld [smem:$0x3F96];
	s0 =	simm.s32 @p0 $0x1  }
0x13: {  	[smem:$0x3FB1] =	sst s0;
	s0 =	simm.s32 @!p1 $0x0  }
0x14: {  	s2 =	sld [smem:$0x3F95];
	s0 =	simm.s32 @p1 $0x1  }
0x15: {  	[smem:$0x3FB2] =	sst s0;
	s0 =	simm.s32 @!p2 $0x0  }
0x16: {  	s3 =	sld [smem:$0x3FDB];
	s0 =	simm.s32 @p2 $0x1  }
0x17: {  	s4 =	simm.s32 $0x1BF5;
	[smem:$0x3FB4] =	sst s0  }
0x18: {  	s0 =	sld [smem:$0x3F97];
	_ =	swait.ge [sflag:s4], $0x0  }
0x19: {  	s7 =	sld [smem:$0x3F98]  }
0x1a: {  	s8 =	sadd.s32 $0xFFFFE003, lr  }
0x1b: {  	s9 =	sadd.s32 $0xFFFFFEF7, lr;
	s5 =	simm.s32 $0xFFFFFFFF;
	p2 =	slt.u32 s8, $0xFFFFF086  }
0x1c: {  	p1 =	slt.u32 s9, $0xF7A;
	s5 =	simm.s32 @!p2 $0x0  }
0x1d: {  	s5 =	simm.s32 @p1 $0x1;
	p0 =	seq.s32 s7, s2  }
0x1e: {  	s7 =	smul.u32 @!p0 $0xF7A, s2;
	p2 =	seq.s32 @!p0 s5, $0x0  }
0x1f: {  	s9 =	smul.u32 $0xF7A, s1;
	s8 =	simm.s32 @!p0 $0x1BF5;
	p2 =	por !p2, p0  }
0x20: {  	[sflag:s8] =	ssyncset.s32 @!p0 $0xFFFFF086;
	s6 =	sadd.s32 @!p0 s3, s7;
	s7 =	simm.s32 @!p0 $0x108  }
0x21: {  	s3 =	sadd.s32 s3, s9;
	s6 =	sadd.s32 @!p0 $0x88, s6;
	s7 =	simm.s32 @p2 $0x1082  }
0x22: {  	[simem:s7], [sflag:s8] =	dma.local @!p0 [hbm:s6], $0xF7A  }
0x23: {  	s9 =	sor.u32 $0xD0000000, s2;
	s6 =	simm.s32 $0x108;
	_ =	swait.ge @!p0 [sflag:s8], $0x0  }
0x24: {  	s3 =	sadd.s32 $0x88, s3;
	s6 =	simm.s32 @!p1 $0x1082;
	[sflag:s4] =	ssyncset.s32 $0xFFFFF086  }
0x25: {  	[simem:s6], [sflag:s4] =	dma.local [hbm:s3], $0xF7A  }
0x26: {  	[smem:$0x3F98] =	sst s1;
	(tag) =	ssettag s2;
	_ =	strace s9  }
0x27: {  	s1 =	sld [smem:$0x3FA8]  }
0x28: {  	s2 =	sld [smem:$0x3FA9]  }
0x29: {  	s4 =	sld [smem:$0x3FAB]  }
0x2a: {  	p0 =	seq.s32 s5, $0x0;
	s5 =	sld [smem:$0x3FAC]  }
0x2b: {  	s6 =	sld [smem:$0x3FAD]  }
0x2c: {  	s7 =	sld [smem:$0x3FAE]  }
0x2d: {  	s3 =	simm.s32 $0x108;
	s8 =	sld [smem:$0x3FAF]  }
0x2e: {  	s3 =	simm.s32 @!p0 $0x1082;
	s9 =	sld [smem:$0x3FB0]  }
0x2f: {  	lr =	sadd.s32 s0, s3;
	s0 =	sld [smem:$0x3FA7]  }
0x30: {  	s3 =	sld [smem:$0x3FAA]  }
0x31: {  	[smem:$0x3FB3] =	sst s10  }
0x32: {  	s10 =	sld [smem:$0x3FB1];
	_ =	sdelay $0x3  }
0x33: {  	p0 =	seq.s32 s10, $0x1;
	s10 =	sld [smem:$0x3FB3];
	_ =	sdelay $0x3  }
0x34: {  	[smem:$0x3FB3] =	sst s10  }
0x35: {  	s10 =	sld [smem:$0x3FB2];
	_ =	sdelay $0x3  }
0x36: {  	p1 =	seq.s32 s10, $0x1;
	s10 =	sld [smem:$0x3FB3];
	_ =	sdelay $0x3  }
0x37: {  	[smem:$0x3FB3] =	sst s10  }
0x38: {  	s10 =	sld [smem:$0x3FB4]  }
0x39: {  	_ = 	snop;
	(pc) =	sbr.ind lr, $3  }
0x3a: {  	_ = 	snop  }
0x3b: {  	_ = 	snop  }
0x3c: {  	p2 =	seq.s32 s10, $0x1;
	s10 =	sld [smem:$0x3FB3]  }
0x3d: {  	_ =	shalt  }
0x3e: {  	_ =	shalt  }
0x3f: {  	_ =	shalt  }
0x40: {  	_ =	shalt  }
0x41: {  	_ =	shalt  }
0x42: {  	_ =	shalt  }
0x43: {  	_ =	shalt  }
0x44: {  	_ =	shalt  }
0x45: {  	_ =	shalt  }
0x46: {  	_ =	shalt  }
0x47: {  	_ =	shalt  }
0x48: {  	_ =	shalt  }
0x49: {  	_ =	shalt  }
0x4a: {  	_ =	shalt  }
0x4b: {  	_ =	shalt  }
0x4c: {  	_ =	shalt  }
0x4d: {  	_ =	shalt  }
0x4e: {  	_ =	shalt  }
0x4f: {  	_ =	shalt  }
0x50: {  	_ =	shalt  }
0x51: {  	_ =	shalt  }
0x52: {  	_ =	shalt  }
0x53: {  	_ =	shalt  }
0x54: {  	_ =	shalt  }
0x55: {  	_ =	shalt  }
0x56: {  	_ =	shalt  }
0x57: {  	_ =	shalt  }
0x58: {  	_ =	shalt  }
0x59: {  	_ =	shalt  }
0x5a: {  	_ =	shalt  }
0x5b: {  	_ =	shalt  }
0x5c: {  	_ =	shalt  }
0x5d: {  	_ =	shalt  }
0x5e: {  	_ =	shalt  }
0x5f: {  	_ =	shalt  }
0x60: {  	_ =	shalt  }
0x61: {  	_ =	shalt  }
0x62: {  	_ =	shalt  }
0x63: {  	_ =	shalt  }
0x64: {  	_ =	shalt  }
0x65: {  	_ =	shalt  }
0x66: {  	_ =	shalt  }
0x67: {  	_ =	shalt  }
0x68: {  	_ =	shalt  }
0x69: {  	_ =	shalt  }
0x6a: {  	_ =	shalt  }
0x6b: {  	_ =	shalt  }
0x6c: {  	_ =	shalt  }
0x6d: {  	_ =	shalt  }
0x6e: {  	_ =	shalt  }
0x6f: {  	_ =	shalt  }
0x70: {  	_ =	shalt  }
0x71: {  	_ =	shalt  }
0x72: {  	_ =	shalt  }
0x73: {  	_ =	shalt  }
0x74: {  	_ =	shalt  }
0x75: {  	_ =	shalt  }
0x76: {  	_ =	shalt  }
0x77: {  	_ =	shalt  }
0x78: {  	_ =	shalt  }
0x79: {  	_ =	shalt  }
0x7a: {  	_ =	shalt  }
0x7b: {  	_ =	shalt  }
0x7c: {  	_ =	shalt  }
0x7d: {  	_ =	shalt  }
0x7e: {  	_ =	shalt  }
0x7f: {  	_ =	shalt  }
0x80: {  	_ =	shalt  }
0x81: {  	_ =	shalt  }
0x82: {  	_ =	shalt  }
0x83: {  	_ =	shalt  }
0x84: {  	_ =	shalt  }
0x85: {  	_ =	shalt  }
0x86: {  	_ =	shalt  }
0x87: {  	_ =	shalt  }
.Lfunc_end0:
.L_simem_size_0:
called_computation_lowered:
.L_overlay_start_0:
0x88: {  	s2 =	sld [smem:$0x3FD9]  }
0x89: {  	s3 =	sld [smem:$0x3FFE];
	_ =	sdelay $0x1  }
0x8a: {  	s1 =	srdreg.scid  }
0x8b: {  	s0 =	sand.u32 $0x1, s1  }
0x8c: {  	s18 =	sshll.u32 s0, $0xA;
	s2 =	sadd.s32 s3, s2  }
0x8d: {  	s2 =	sadd.s32 s2, s18  }
0x8e: {  	[smem:$0x3FBF] =	sst s2  }
0x8f: {  	_ = 	snop  }
0x90: {  	s2 =	sld [smem:$0x3FC9]  }
0x91: {  	s19 =	sld [smem:$0x3FC7]  }
0x92: {  	s4 =	sld [smem:$0x3FD0];
	(tm) =	ssettm $0x1  }
0x93: {  	s5 =	sld [smem:$0x3FFB];
	_ =	sdelay $0x3  }
0x94: {  	_ =	strace s5  }
0x95: {  	s5 =	sld [smem:$0x3FFC];
	_ =	sdelay $0x3  }
0x96: {  	_ =	strace s5  }
0x97: {  	s5 =	sld [smem:$0x3FFD];
	_ =	sdelay $0x3  }
0x98: {  	_ =	strace s5  }
0x99: {  	_ =	strace $0x8FFFFFFF  }
0x9a: {  	s20 =	sld [smem:$0x3FDB];
	_ =	sdelay $0x1  }
0x9b: {  	s6 =	simm.s32 $_scs_section_size  }
0x9c: {  	s7 =	simm.s32 $_size__tile_overlayer_lowered;
	s8 =	simm.s32 $_tile_overlayer_lowered  }
0x9d: {  	s23 =	simm.s32 $0x1BFF;
	s22 =	sshll.u32 s8, $0x1;
	s5 =	sadd.s32 s6, s20  }
0x9e: {  	s9 =	simm.s32 $0x0;
	s21 =	sshll.u32 s7, $0x1;
	s7 =	sadd.s32 s22, s5  }
0x9f: {  	[timem:s9], [sflag:s23] =	dma.local [hbm:s7], s21  }
0xa0: {  	_ =	swait.ge [sflag:s23], s21  }
0xa1: {  	s6 =	ssub.s32 $0x0, s21;
	[sflag:s23] =	ssyncset.done $0x0  }
0xa2: {  	[sflag:s23] =	ssyncadd.s32 s6;
	_ =	sdelay $0x1  }
0xa3: {  	s24 =	simm.s32 $0x1B8B  }
0xa4: {  	_ =	swait.ge [sflag:s24], $0x1  }
0xa5: {  	[sflag:s24] =	ssyncset.done $0x0  }
0xa6: {  	s25 =	simm.s32 $0x1B8E;
	[sflag:s24] =	ssyncadd.s32 $0xFFFFFFFF  }
0xa7: {  	s26 =	simm.s32 $execute0_lowered;
	[smem:$0x3FD2] =	sst s25  }
0xa8: {  	s6 =	sshll.u32 s26, $0x1;
	_ =	strace $0x80000046;
	[dreg:$0x1] =	wrdreg $0xFFFFFFFF  }
0xa9: {  	s28 =	simm.s32 $_size_execute0_lowered;
	s5 =	sadd.s32 s5, s6;
	[dreg:$0x0] =	wrdreg $0x0  }
0xaa: {  	s6 =	sshll.u32 s28, $0x1;
	[dreg:$0x2] =	wrdreg s5  }
0xab: {  	[dreg:$0x3] =	wrdreg s6  }
0xac: {  	[dreg:$0x4] =	wrdreg $0xC0  }
0xad: {  	_ =	task [dreg:s9], $0x5FFFF  }
0xae: {  	[dreg:$0x1] =	wrdreg $0xFFFFFFFF  }
0xaf: {  	[dreg:$0x0] =	wrdreg $0x60  }
0xb0: {  	[dreg:$0x2] =	wrdreg s2  }
0xb1: {  	[dreg:$0x3] =	wrdreg s19  }
0xb2: {  	[dreg:$0x4] =	wrdreg s4  }
0xb3: {  	[dreg:$0x5] =	wrdreg $0x84000  }
0xb4: {  	[dreg:$0x6] =	wrdreg $0x9  }
0xb5: {  	_ =	task.clear_ibuf [dreg:s9], $0x7FFFF;
	_ =	strace $0x90000046  }
0xb6: {  	s29 =	simm.s32 $0x9;
	_ =	strace $0x80000048  }
0xb7: {  	_ =	swait.ge [sflag:s29], $0x1  }
0xb8: {  	[sflag:s29] =	ssyncadd.s32 $0xFFFFFFFF  }
0xb9: {  	_ =	strace $0x90000048  }
0xba: {  	_ =	sfence  }
0xbb: {  	s30 =	sld [smem:$0x0];
	_ =	sdelay $0x2  }
0xbc: {  	s31 =	sshll.u32 s1, $0xD;
	s1 =	sshrl.u32 s1, $0x2  }
0xbd: {  	s3 =	sand.u32 $0x4000, s31;
	s1 =	sadd.s32 s1, s30  }
0xbe: {  	s0 =	sor.u32 s3, s0;
	s1 =	sshll.u32 s1, $0x11  }
0xbf: {  	s0 =	sor.u32 s1, s0  }
0xc0: {  	s0 =	sadd.s32 $0x8F2B, s0  }
0xc1: {  	[sflag:s0] =	ssyncadd.remote.s32 $0x1  }
0xc2: {  	_ =	sfence.sel $0xFFFF  }
0xc3: {  	[dreg:$0x0] =	wrdreg $0xFFFFFFFF;
	(pc) =	sbr.abs _section_cstart, $3  }
0xc4: {  	[dreg:$0x1] =	wrdreg $0xFFFFFFFF  }
0xc5: {  	_ =	task.clear_ibuf [dreg:s9], $0x2FFFF;
	_ =	strace $0x9FFFFFFF  }
0xc6: {  	(tm) =	ssettm $0x7FFFFFFF  }
0xc7: {  	_ =	shalt  }
tec
execute0_lowered:
.L_overlay_start_1:
0x0: {  	(tag) =	ssettag $0x1  }
0x1: {  	s3 =	rddreg [dreg:$0x0]  }
0x2: {  	s20 =	rddreg [dreg:$0x1]  }
0x3: {  	s4 =	rddreg [dreg:$0x2]  }
0x4: {  	s2 =	rddreg [dreg:$0x3]  }
0x5: {  	s0 =	rddreg [dreg:$0x4];
	s1 =	simm.s32 $0x0  }
0x6: {  	s5 =	srdreg.scid;
	s7 =	stileid.u32;
	s25 =	simm.s32 $0x4  }
0x7: {  	s10 =	simm.s32 $0x400;
	s24 =	simm.s32 $0x100;
	s22 =	simm.s32 $0x180  }
0x8: {  	s18 =	simm.s32 $0x200;
	s16 =	simm.s32 $0x280;
	s5 =	sand.u32 $0x1, s5  }
0x9: {  	s14 =	simm.s32 $0x300;
	p1 =	por $0x0, $0x0;
	s8 =	ssub.s32 $0x2, s5  }
0xa: {  	[smem:$0x7FF] =	sst s1;
	s6 =	sshll.u32 s7, $0x1;
	s31 =	sshrl.u32 s8, $0x1  }
0xb: {  	p0 =	sne.s32 s7, $0x0;
	s7 =	simm.s32 $0x1;
	s8 =	ssub.s32 s8, s31  }
0xc: {  	_ =	strace $0x80000047;
	s5 =	sor.u32 s5, s6;
	s13 =	smax.u32 s8, $0x1  }
0xd: {  	s28 =	simm.s32 @!p0 $0x0;
	s26 =	simm.s32 @!p0 $0x4;
	s30 =	sadd.s32 $0xFFFFFFFF, s13  }
0xe: {  	s9 =	sshll.u32 s5, $0x7;
	s5 =	sshll.u32 s5, $0xE;
	p2 =	sne.s32 s30, $0x0  }
.Ltmp0:
0xf: {  	s23 =	sadd.s32 s3, s9;
	s21 =	sadd.s32 s4, s5;
	(pc) =	sbr.rel @!p2 .LBB2_3-.Ltmp0, $4  }
0x10: {  	s9 =	simm.s32 $0x80;
	s5 =	simm.s32 $0x2;
	s4 =	simm.s32 $0x3  }
0x11: {  	s19 =	sadd.s32 $0x800, s21;
	s17 =	sadd.s32 $0x1000, s21;
	s15 =	sadd.s32 $0x1800, s21  }
0x12: {  	s12 =	sadd.s32 $0x2000, s21;
	s11 =	sadd.s32 $0x2800, s21;
	s6 =	sadd.s32 $0x3000, s21  }
0x13: {  	s3 =	sadd.s32 $0x3800, s21;
	s8 =	simm.s32 $0x4400;
	s13 =	simm.s32 $0x380  }
0x14: {  	s29 =	simm.s32 @!p0 $0x8720  }
0x15: {  	[tilespmem:s29], [sflag:$0x4] =	stream.linear.gather @!p0 [hbm4b:s20+s28], $0x3200, $0x38;
	[tilespmem:$0xBB20] =	vst v63  }
0x16: {  	_ =	swait.ge @!p0 [sflag:s26], $0x3200  }
0x17: {  	[sflag:s26] =	ssyncset.done @!p0 $0x0  }
0x18: {  	[sflag:s26] =	ssyncadd.s32 @!p0 $0xFFFFCE00  }
0x19: {  	[spmem:s2] =	stream.linear.scatter @!p0 [tilespmem:s29], [sflag:$0x4], $0x3200, $0x38;
	[tilespmem:$0xBB20] =	vst v63  }
0x1a: {  	_ =	swait.ge @!p0 [sflag:s26], $0x3200  }
0x1b: {  	[sflag:s26] =	ssyncset.done @!p0 $0x0  }
0x1c: {  	[sflag:s26] =	ssyncadd.s32 @!p0 $0xFFFFCE00  }
0x1d: {  	[bflag:$0x0] =	sbarrier.arrive $0xFFFF  }
0x1e: {  	[tilespmem:s1], [sflag:$0x4] =	stream.linear.gather [hbm4b:s23+s1], $0x400, $0x38;
	[tilespmem:$0xBB20] =	vst v63  }
0x1f: {  	_ =	swait.ge [sflag:s25], $0x400  }
0x20: {  	[sflag:s25] =	ssyncset.done $0x0  }
0x21: {  	[sflag:s25] =	ssyncadd.s32 $0xFFFFFC00  }
0x22: {  	[tilespmem:s10], [sflag:$0x1] =	stream.indirect.gather [spmem:s2], $0x80, s1, s9, $0xb8;
	[tilespmem:$0xBB20] =	vst v63  }
0x23: {  	_ =	swait.ge [sflag:s7], $0x4000  }
0x24: {  	[sflag:s7] =	ssyncset.done $0x0  }
0x25: {  	[sflag:s7] =	ssyncadd.s32 $0xFFFFC000  }
0x26: {  	[hbm4b:s21+s1] =	stream.linear.scatter [tilespmem:s10], [sflag:$0x2], $0x4000, $0x38;
	[tilespmem:$0xBB20] =	vst v63  }
0x27: {  	_ = 	snop  }
0x28: {  	[tilespmem:s8], [sflag:$0x1] =	stream.indirect.gather [spmem:s2], $0x80, s9, s9, $0xb8;
	[tilespmem:$0xBB20] =	vst v63  }
0x29: {  	_ =	swait.ge [sflag:s7], $0x4000  }
0x2a: {  	[sflag:s7] =	ssyncset.done $0x0  }
0x2b: {  	[sflag:s7] =	ssyncadd.s32 $0xFFFFC000  }
0x2c: {  	[hbm4b:s19+s1] =	stream.linear.scatter [tilespmem:s8], [sflag:$0x3], $0x4000, $0x38;
	[tilespmem:$0xBB20] =	vst v63  }
0x2d: {  	_ =	swait.ge [sflag:s5], $0x4000  }
0x2e: {  	[sflag:s5] =	ssyncset.done $0x0  }
0x2f: {  	[sflag:s5] =	ssyncadd.s32 $0xFFFFC000  }
0x30: {  	[tilespmem:s10], [sflag:$0x1] =	stream.indirect.gather [spmem:s2], $0x80, s24, s9, $0xb8;
	[tilespmem:$0xBB20] =	vst v63  }
0x31: {  	_ =	swait.ge [sflag:s7], $0x4000  }
0x32: {  	[sflag:s7] =	ssyncset.done $0x0  }
0x33: {  	[sflag:s7] =	ssyncadd.s32 $0xFFFFC000  }
0x34: {  	[hbm4b:s17+s1] =	stream.linear.scatter [tilespmem:s10], [sflag:$0x2], $0x4000, $0x38;
	[tilespmem:$0xBB20] =	vst v63  }
0x35: {  	_ =	swait.ge [sflag:s4], $0x4000  }
0x36: {  	[sflag:s4] =	ssyncset.done $0x0  }
0x37: {  	[sflag:s4] =	ssyncadd.s32 $0xFFFFC000  }
0x38: {  	[tilespmem:s8], [sflag:$0x1] =	stream.indirect.gather [spmem:s2], $0x80, s22, s9, $0xb8;
	[tilespmem:$0xBB20] =	vst v63  }
0x39: {  	_ =	swait.ge [sflag:s7], $0x4000  }
0x3a: {  	[sflag:s7] =	ssyncset.done $0x0  }
0x3b: {  	[sflag:s7] =	ssyncadd.s32 $0xFFFFC000  }
0x3c: {  	[hbm4b:s15+s1] =	stream.linear.scatter [tilespmem:s8], [sflag:$0x3], $0x4000, $0x38;
	[tilespmem:$0xBB20] =	vst v63  }
0x3d: {  	_ =	swait.ge [sflag:s5], $0x4000  }
0x3e: {  	[sflag:s5] =	ssyncset.done $0x0  }
0x3f: {  	[sflag:s5] =	ssyncadd.s32 $0xFFFFC000  }
0x40: {  	[tilespmem:s10], [sflag:$0x1] =	stream.indirect.gather [spmem:s2], $0x80, s18, s9, $0xb8;
	[tilespmem:$0xBB20] =	vst v63  }
0x41: {  	_ =	swait.ge [sflag:s7], $0x4000  }
0x42: {  	[sflag:s7] =	ssyncset.done $0x0  }
0x43: {  	[sflag:s7] =	ssyncadd.s32 $0xFFFFC000  }
0x44: {  	[hbm4b:s12+s1] =	stream.linear.scatter [tilespmem:s10], [sflag:$0x2], $0x4000, $0x38;
	[tilespmem:$0xBB20] =	vst v63  }
0x45: {  	_ =	swait.ge [sflag:s4], $0x4000  }
0x46: {  	[sflag:s4] =	ssyncset.done $0x0  }
0x47: {  	[sflag:s4] =	ssyncadd.s32 $0xFFFFC000  }
0x48: {  	[tilespmem:s8], [sflag:$0x1] =	stream.indirect.gather [spmem:s2], $0x80, s16, s9, $0xb8;
	[tilespmem:$0xBB20] =	vst v63  }
0x49: {  	_ =	swait.ge [sflag:s7], $0x4000  }
0x4a: {  	[sflag:s7] =	ssyncset.done $0x0  }
0x4b: {  	[sflag:s7] =	ssyncadd.s32 $0xFFFFC000  }
0x4c: {  	[hbm4b:s11+s1] =	stream.linear.scatter [tilespmem:s8], [sflag:$0x3], $0x4000, $0x38;
	[tilespmem:$0xBB20] =	vst v63  }
0x4d: {  	_ =	swait.ge [sflag:s5], $0x4000  }
0x4e: {  	[sflag:s5] =	ssyncset.done $0x0  }
0x4f: {  	[sflag:s5] =	ssyncadd.s32 $0xFFFFC000  }
0x50: {  	[tilespmem:s10], [sflag:$0x1] =	stream.indirect.gather [spmem:s2], $0x80, s14, s9, $0xb8;
	[tilespmem:$0xBB20] =	vst v63  }
0x51: {  	_ =	swait.ge [sflag:s7], $0x4000  }
0x52: {  	[sflag:s7] =	ssyncset.done $0x0  }
0x53: {  	[sflag:s7] =	ssyncadd.s32 $0xFFFFC000  }
0x54: {  	[hbm4b:s6+s1] =	stream.linear.scatter [tilespmem:s10], [sflag:$0x2], $0x4000, $0x38;
	[tilespmem:$0xBB20] =	vst v63  }
0x55: {  	_ =	swait.ge [sflag:s4], $0x4000  }
0x56: {  	[sflag:s4] =	ssyncset.done $0x0  }
0x57: {  	[sflag:s4] =	ssyncadd.s32 $0xFFFFC000  }
0x58: {  	[tilespmem:s8], [sflag:$0x1] =	stream.indirect.gather [spmem:s2], $0x80, s13, s9, $0xb8;
	[tilespmem:$0xBB20] =	vst v63  }
0x59: {  	_ =	swait.ge [sflag:s7], $0x4000  }
0x5a: {  	s30 =	sadd.s32 $0xFFFFFFFF, s30;
	[sflag:s7] =	ssyncset.done $0x0  }
0x5b: {  	p2 =	sne.s32 s30, $0x0;
	[sflag:s7] =	ssyncadd.s32 $0xFFFFC000  }
0x5c: {  	[hbm4b:s3+s1] =	stream.linear.scatter [tilespmem:s8], [sflag:$0x3], $0x4000, $0x38;
	[tilespmem:$0xBB20] =	vst v63  }
.Ltmp1:
0x5d: {  	_ =	swait.ge [sflag:s5], $0x4000;
	(pc) =	sbr.rel @!p2 .LBB2_3-.Ltmp1, $4  }
0x5e: {  	[sflag:s5] =	ssyncset.done $0x0  }
0x5f: {  	[sflag:s5] =	ssyncadd.s32 $0xFFFFC000  }
0x60: {  	_ =	swait.ge [sflag:s4], $0x4000  }
0x61: {  	p1 =	por $0x1, $0x1;
	[sflag:s4] =	ssyncset.done $0x0  }
.LBB2_2:
0x62: {  	s31 =	simm.s32 @!p0 $0x0;
	[sflag:s4] =	ssyncadd.s32 $0xFFFFC000  }
0x63: {  	[tilespmem:s29], [sflag:$0x4] =	stream.linear.gather @!p0 [hbm4b:s20+s28], $0x3200, $0x38;
	[tilespmem:$0xBB20] =	vst v63  }
0x64: {  	s30 =	sadd.s32 $0xFFFFFFFF, s30;
	s28 =	smov.u32 s31;
	_ =	swait.ge @!p0 [sflag:s26], $0x3200  }
0x65: {  	p2 =	sne.s32 s30, $0x0;
	[sflag:s26] =	ssyncset.done @!p0 $0x0  }
0x66: {  	[sflag:s26] =	ssyncadd.s32 @!p0 $0xFFFFCE00  }
0x67: {  	[spmem:s2] =	stream.linear.scatter @!p0 [tilespmem:s29], [sflag:$0x4], $0x3200, $0x38;
	[tilespmem:$0xBB20] =	vst v63  }
0x68: {  	_ =	swait.ge @!p0 [sflag:s26], $0x3200  }
0x69: {  	[sflag:s26] =	ssyncset.done @!p0 $0x0  }
0x6a: {  	[sflag:s26] =	ssyncadd.s32 @!p0 $0xFFFFCE00  }
0x6b: {  	[bflag:$0x0] =	sbarrier.arrive $0xFFFF  }
0x6c: {  	[tilespmem:s1], [sflag:$0x4] =	stream.linear.gather [hbm4b:s23+s1], $0x400, $0x38;
	[tilespmem:$0xBB20] =	vst v63  }
0x6d: {  	_ =	swait.ge [sflag:s25], $0x400  }
0x6e: {  	[sflag:s25] =	ssyncset.done $0x0  }
0x6f: {  	[sflag:s25] =	ssyncadd.s32 $0xFFFFFC00  }
0x70: {  	[tilespmem:s10], [sflag:$0x1] =	stream.indirect.gather [spmem:s2], $0x80, s1, s9, $0xb8;
	[tilespmem:$0xBB20] =	vst v63  }
0x71: {  	_ =	swait.ge [sflag:s7], $0x4000  }
0x72: {  	[sflag:s7] =	ssyncset.done $0x0  }
0x73: {  	[sflag:s7] =	ssyncadd.s32 $0xFFFFC000  }
0x74: {  	[hbm4b:s21+s1] =	stream.linear.scatter [tilespmem:s10], [sflag:$0x2], $0x4000, $0x38;
	[tilespmem:$0xBB20] =	vst v63  }
0x75: {  	_ = 	snop  }
0x76: {  	[tilespmem:s8], [sflag:$0x1] =	stream.indirect.gather [spmem:s2], $0x80, s9, s9, $0xb8;
	[tilespmem:$0xBB20] =	vst v63  }
0x77: {  	_ =	swait.ge [sflag:s7], $0x4000  }
0x78: {  	[sflag:s7] =	ssyncset.done $0x0  }
0x79: {  	[sflag:s7] =	ssyncadd.s32 $0xFFFFC000  }
0x7a: {  	[hbm4b:s19+s1] =	stream.linear.scatter [tilespmem:s8], [sflag:$0x3], $0x4000, $0x38;
	[tilespmem:$0xBB20] =	vst v63  }
0x7b: {  	_ =	swait.ge [sflag:s5], $0x4000  }
0x7c: {  	[sflag:s5] =	ssyncset.done $0x0  }
0x7d: {  	[sflag:s5] =	ssyncadd.s32 $0xFFFFC000  }
0x7e: {  	[tilespmem:s10], [sflag:$0x1] =	stream.indirect.gather [spmem:s2], $0x80, s24, s9, $0xb8;
	[tilespmem:$0xBB20] =	vst v63  }
0x7f: {  	_ =	swait.ge [sflag:s7], $0x4000  }
0x80: {  	[sflag:s7] =	ssyncset.done $0x0  }
0x81: {  	[sflag:s7] =	ssyncadd.s32 $0xFFFFC000  }
0x82: {  	[hbm4b:s17+s1] =	stream.linear.scatter [tilespmem:s10], [sflag:$0x2], $0x4000, $0x38;
	[tilespmem:$0xBB20] =	vst v63  }
0x83: {  	_ =	swait.ge [sflag:s4], $0x4000  }
0x84: {  	[sflag:s4] =	ssyncset.done $0x0  }
0x85: {  	[sflag:s4] =	ssyncadd.s32 $0xFFFFC000  }
0x86: {  	[tilespmem:s8], [sflag:$0x1] =	stream.indirect.gather [spmem:s2], $0x80, s22, s9, $0xb8;
	[tilespmem:$0xBB20] =	vst v63  }
0x87: {  	_ =	swait.ge [sflag:s7], $0x4000  }
0x88: {  	[sflag:s7] =	ssyncset.done $0x0  }
0x89: {  	[sflag:s7] =	ssyncadd.s32 $0xFFFFC000  }
0x8a: {  	[hbm4b:s15+s1] =	stream.linear.scatter [tilespmem:s8], [sflag:$0x3], $0x4000, $0x38;
	[tilespmem:$0xBB20] =	vst v63  }
0x8b: {  	_ =	swait.ge [sflag:s5], $0x4000  }
0x8c: {  	[sflag:s5] =	ssyncset.done $0x0  }
0x8d: {  	[sflag:s5] =	ssyncadd.s32 $0xFFFFC000  }
0x8e: {  	[tilespmem:s10], [sflag:$0x1] =	stream.indirect.gather [spmem:s2], $0x80, s18, s9, $0xb8;
	[tilespmem:$0xBB20] =	vst v63  }
0x8f: {  	_ =	swait.ge [sflag:s7], $0x4000  }
0x90: {  	[sflag:s7] =	ssyncset.done $0x0  }
0x91: {  	[sflag:s7] =	ssyncadd.s32 $0xFFFFC000  }
0x92: {  	[hbm4b:s12+s1] =	stream.linear.scatter [tilespmem:s10], [sflag:$0x2], $0x4000, $0x38;
	[tilespmem:$0xBB20] =	vst v63  }
0x93: {  	_ =	swait.ge [sflag:s4], $0x4000  }
0x94: {  	[sflag:s4] =	ssyncset.done $0x0  }
0x95: {  	[sflag:s4] =	ssyncadd.s32 $0xFFFFC000  }
0x96: {  	[tilespmem:s8], [sflag:$0x1] =	stream.indirect.gather [spmem:s2], $0x80, s16, s9, $0xb8;
	[tilespmem:$0xBB20] =	vst v63  }
0x97: {  	_ =	swait.ge [sflag:s7], $0x4000  }
0x98: {  	[sflag:s7] =	ssyncset.done $0x0  }
0x99: {  	[sflag:s7] =	ssyncadd.s32 $0xFFFFC000  }
0x9a: {  	[hbm4b:s11+s1] =	stream.linear.scatter [tilespmem:s8], [sflag:$0x3], $0x4000, $0x38;
	[tilespmem:$0xBB20] =	vst v63  }
0x9b: {  	_ =	swait.ge [sflag:s5], $0x4000  }
0x9c: {  	[sflag:s5] =	ssyncset.done $0x0  }
0x9d: {  	[sflag:s5] =	ssyncadd.s32 $0xFFFFC000  }
0x9e: {  	[tilespmem:s10], [sflag:$0x1] =	stream.indirect.gather [spmem:s2], $0x80, s14, s9, $0xb8;
	[tilespmem:$0xBB20] =	vst v63  }
0x9f: {  	_ =	swait.ge [sflag:s7], $0x4000  }
0xa0: {  	[sflag:s7] =	ssyncset.done $0x0  }
0xa1: {  	[sflag:s7] =	ssyncadd.s32 $0xFFFFC000  }
0xa2: {  	[hbm4b:s6+s1] =	stream.linear.scatter [tilespmem:s10], [sflag:$0x2], $0x4000, $0x38;
	[tilespmem:$0xBB20] =	vst v63  }
0xa3: {  	_ =	swait.ge [sflag:s4], $0x4000  }
0xa4: {  	[sflag:s4] =	ssyncset.done $0x0  }
0xa5: {  	[sflag:s4] =	ssyncadd.s32 $0xFFFFC000  }
0xa6: {  	[tilespmem:s8], [sflag:$0x1] =	stream.indirect.gather [spmem:s2], $0x80, s13, s9, $0xb8;
	[tilespmem:$0xBB20] =	vst v63  }
0xa7: {  	_ =	swait.ge [sflag:s7], $0x4000  }
0xa8: {  	[sflag:s7] =	ssyncset.done $0x0  }
0xa9: {  	[sflag:s7] =	ssyncadd.s32 $0xFFFFC000  }
0xaa: {  	[hbm4b:s3+s1] =	stream.linear.scatter [tilespmem:s8], [sflag:$0x3], $0x4000, $0x38;
	[tilespmem:$0xBB20] =	vst v63  }
.Ltmp2:
0xab: {  	_ =	swait.ge [sflag:s5], $0x4000;
	(pc) =	sbr.rel @p2 .LBB2_2-.Ltmp2, $4  }
0xac: {  	[sflag:s5] =	ssyncset.done $0x0  }
0xad: {  	[sflag:s5] =	ssyncadd.s32 $0xFFFFC000  }
0xae: {  	_ =	swait.ge [sflag:s4], $0x4000  }
0xaf: {  	[sflag:s4] =	ssyncset.done $0x0  }
.LBB2_3:
0xb0: {  	[sflag:s4] =	ssyncadd.s32 @p1 $0xFFFFC000;
	s29 =	simm.s32 @!p0 $0x8720  }
0xb1: {  	[tilespmem:s29], [sflag:$0x4] =	stream.linear.gather @!p0 [hbm4b:s20+s28], $0x3200, $0x38;
	[tilespmem:$0xBB20] =	vst v63  }
0xb2: {  	_ =	swait.ge @!p0 [sflag:s26], $0x3200  }
0xb3: {  	[sflag:s26] =	ssyncset.done @!p0 $0x0  }
0xb4: {  	[sflag:s26] =	ssyncadd.s32 @!p0 $0xFFFFCE00  }
0xb5: {  	[spmem:s2] =	stream.linear.scatter @!p0 [tilespmem:s29], [sflag:$0x4], $0x3200, $0x38;
	[tilespmem:$0xBB20] =	vst v63  }
0xb6: {  	_ =	swait.ge @!p0 [sflag:s26], $0x3200  }
0xb7: {  	[sflag:s26] =	ssyncset.done @!p0 $0x0  }
0xb8: {  	[sflag:s26] =	ssyncadd.s32 @!p0 $0xFFFFCE00  }
0xb9: {  	[bflag:$0x0] =	sbarrier.arrive $0xFFFF  }
0xba: {  	[tilespmem:s1], [sflag:$0x4] =	stream.linear.gather [hbm4b:s23+s1], $0x400, $0x38;
	[tilespmem:$0xBB20] =	vst v63  }
0xbb: {  	_ =	swait.ge [sflag:s25], $0x400  }
0xbc: {  	[sflag:s25] =	ssyncset.done $0x0  }
0xbd: {  	[sflag:s25] =	ssyncadd.s32 $0xFFFFFC00  }
0xbe: {  	[tilespmem:s10], [sflag:$0x1] =	stream.indirect.gather [spmem:s2], $0x80, s1, s9, $0xb8;
	[tilespmem:$0xBB20] =	vst v63  }
0xbf: {  	_ =	swait.ge [sflag:s7], $0x4000  }
0xc0: {  	[sflag:s7] =	ssyncset.done $0x0  }
0xc1: {  	[sflag:s7] =	ssyncadd.s32 $0xFFFFC000  }
0xc2: {  	[hbm4b:s21+s1] =	stream.linear.scatter [tilespmem:s10], [sflag:$0x2], $0x4000, $0x38;
	[tilespmem:$0xBB20] =	vst v63  }
0xc3: {  	_ = 	snop  }
0xc4: {  	[tilespmem:s8], [sflag:$0x1] =	stream.indirect.gather [spmem:s2], $0x80, s9, s9, $0xb8;
	[tilespmem:$0xBB20] =	vst v63  }
0xc5: {  	_ =	swait.ge [sflag:s7], $0x4000  }
0xc6: {  	[sflag:s7] =	ssyncset.done $0x0  }
0xc7: {  	[sflag:s7] =	ssyncadd.s32 $0xFFFFC000  }
0xc8: {  	[hbm4b:s19+s1] =	stream.linear.scatter [tilespmem:s8], [sflag:$0x3], $0x4000, $0x38;
	[tilespmem:$0xBB20] =	vst v63  }
0xc9: {  	_ =	swait.ge [sflag:s5], $0x4000  }
0xca: {  	[sflag:s5] =	ssyncset.done $0x0  }
0xcb: {  	[sflag:s5] =	ssyncadd.s32 $0xFFFFC000  }
0xcc: {  	[tilespmem:s10], [sflag:$0x1] =	stream.indirect.gather [spmem:s2], $0x80, s24, s9, $0xb8;
	[tilespmem:$0xBB20] =	vst v63  }
0xcd: {  	_ =	swait.ge [sflag:s7], $0x4000  }
0xce: {  	[sflag:s7] =	ssyncset.done $0x0  }
0xcf: {  	[sflag:s7] =	ssyncadd.s32 $0xFFFFC000  }
0xd0: {  	[hbm4b:s17+s1] =	stream.linear.scatter [tilespmem:s10], [sflag:$0x2], $0x4000, $0x38;
	[tilespmem:$0xBB20] =	vst v63  }
0xd1: {  	_ =	swait.ge [sflag:s4], $0x4000  }
0xd2: {  	[sflag:s4] =	ssyncset.done $0x0  }
0xd3: {  	[sflag:s4] =	ssyncadd.s32 $0xFFFFC000  }
0xd4: {  	[tilespmem:s8], [sflag:$0x1] =	stream.indirect.gather [spmem:s2], $0x80, s22, s9, $0xb8;
	[tilespmem:$0xBB20] =	vst v63  }
0xd5: {  	_ =	swait.ge [sflag:s7], $0x4000  }
0xd6: {  	[sflag:s7] =	ssyncset.done $0x0  }
0xd7: {  	[sflag:s7] =	ssyncadd.s32 $0xFFFFC000  }
0xd8: {  	[hbm4b:s15+s1] =	stream.linear.scatter [tilespmem:s8], [sflag:$0x3], $0x4000, $0x38;
	[tilespmem:$0xBB20] =	vst v63  }
0xd9: {  	_ =	swait.ge [sflag:s5], $0x4000  }
0xda: {  	[sflag:s5] =	ssyncset.done $0x0  }
0xdb: {  	[sflag:s5] =	ssyncadd.s32 $0xFFFFC000  }
0xdc: {  	[tilespmem:s10], [sflag:$0x1] =	stream.indirect.gather [spmem:s2], $0x80, s18, s9, $0xb8;
	[tilespmem:$0xBB20] =	vst v63  }
0xdd: {  	_ =	swait.ge [sflag:s7], $0x4000  }
0xde: {  	[sflag:s7] =	ssyncset.done $0x0  }
0xdf: {  	[sflag:s7] =	ssyncadd.s32 $0xFFFFC000  }
0xe0: {  	[hbm4b:s12+s1] =	stream.linear.scatter [tilespmem:s10], [sflag:$0x2], $0x4000, $0x38;
	[tilespmem:$0xBB20] =	vst v63  }
0xe1: {  	_ =	swait.ge [sflag:s4], $0x4000  }
0xe2: {  	[sflag:s4] =	ssyncset.done $0x0  }
0xe3: {  	[sflag:s4] =	ssyncadd.s32 $0xFFFFC000  }
0xe4: {  	[tilespmem:s8], [sflag:$0x1] =	stream.indirect.gather [spmem:s2], $0x80, s16, s9, $0xb8;
	[tilespmem:$0xBB20] =	vst v63  }
0xe5: {  	_ =	swait.ge [sflag:s7], $0x4000  }
0xe6: {  	[sflag:s7] =	ssyncset.done $0x0  }
0xe7: {  	[sflag:s7] =	ssyncadd.s32 $0xFFFFC000  }
0xe8: {  	[hbm4b:s11+s1] =	stream.linear.scatter [tilespmem:s8], [sflag:$0x3], $0x4000, $0x38;
	[tilespmem:$0xBB20] =	vst v63  }
0xe9: {  	_ =	swait.ge [sflag:s5], $0x4000  }
0xea: {  	[sflag:s5] =	ssyncset.done $0x0  }
0xeb: {  	[sflag:s5] =	ssyncadd.s32 $0xFFFFC000  }
0xec: {  	[tilespmem:s10], [sflag:$0x1] =	stream.indirect.gather [spmem:s2], $0x80, s14, s9, $0xb8;
	[tilespmem:$0xBB20] =	vst v63  }
0xed: {  	_ =	swait.ge [sflag:s7], $0x4000  }
0xee: {  	[sflag:s7] =	ssyncset.done $0x0  }
0xef: {  	[sflag:s7] =	ssyncadd.s32 $0xFFFFC000  }
0xf0: {  	[hbm4b:s6+s1] =	stream.linear.scatter [tilespmem:s10], [sflag:$0x2], $0x4000, $0x38;
	[tilespmem:$0xBB20] =	vst v63  }
0xf1: {  	_ =	swait.ge [sflag:s4], $0x4000  }
0xf2: {  	[sflag:s4] =	ssyncset.done $0x0  }
0xf3: {  	[sflag:s4] =	ssyncadd.s32 $0xFFFFC000  }
0xf4: {  	[tilespmem:s8], [sflag:$0x1] =	stream.indirect.gather [spmem:s2], $0x80, s13, s9, $0xb8;
	[tilespmem:$0xBB20] =	vst v63  }
0xf5: {  	_ =	swait.ge [sflag:s7], $0x4000  }
0xf6: {  	[sflag:s7] =	ssyncset.done $0x0  }
0xf7: {  	[sflag:s7] =	ssyncadd.s32 $0xFFFFC000  }
0xf8: {  	[hbm4b:s3+s1] =	stream.linear.scatter [tilespmem:s8], [sflag:$0x3], $0x4000, $0x38;
	[tilespmem:$0xBB20] =	vst v63  }
0xf9: {  	_ =	swait.ge [sflag:s5], $0x4000  }
0xfa: {  	[sflag:s5] =	ssyncset.done $0x0  }
0xfb: {  	[sflag:s5] =	ssyncadd.s32 $0xFFFFC000  }
0xfc: {  	_ =	swait.ge [sflag:s4], $0x4000  }
0xfd: {  	[sflag:s4] =	ssyncset.done $0x0  }
0xfe: {  	[sflag:s4] =	ssyncadd.s32 $0xFFFFC000  }
0xff: {  	_ =	sfence.sel $0x180000  }
0x100: {  	[bflag:$0x0] =	sbarrier.arrive $0xFFFF  }
0x101: {  	_ =	strace $0x90000047  }
0x102: {  	s0 =	sadd.s32 @!p0 $0x100000, s0;
	[bflag:$0x2] =	sbarrier.arrive $0xFFFF  }
0x103: {  	[sflag:s0] =	ssyncadd.tile.s32 @!p0 $0x1;
	_ =	shalt  }
.Lfunc_end2:
_tile_overlayer_lowered:
.L_overlay_start_2:
0x104: {  	(tag) =	ssettag $0x2  }
0x105: {  	s0 =	rddreg [dreg:$0x0];
	s2 =	stileid.u32  }
0x106: {  	s1 =	rddreg [dreg:$0x1];
	p0 =	sne.s32 s2, $0x0  }
0x107: {  	s3 =	rddreg [dreg:$0x2];
	[bflag:$0x3] =	sbarrier.arrive $0xFFFF;
	s2 =	simm.s32 @!p0 $0x1C04  }
0x108: {  	[timem:s3], [sflag:s2] =	dma.local @!p0 [hbm:s0], s1  }
0x109: {  	s0 =	simm.s32 @!p0 $0x4  }
0x10a: {  	_ =	swait.ge @!p0 [sflag:s0], s1  }
0x10b: {  	s1 =	ssub.s32 @!p0 $0x0, s1;
	[sflag:s0] =	ssyncset.done @!p0 $0x0  }
0x10c: {  	[sflag:s0] =	ssyncadd.s32 @!p0 s1  }
0x10d: {  	[bflag:$0x3] =	sbarrier.arrive $0xFFFF  }
0x10e: {  	_ =	shalt  }

</sc_bundles>
